<compile_context>
chip_gen: v7x
topology: tpu7x:2x2x1
jax: 0.10.2.dev20260603
libtpu: 0.0.44.dev20260713+nightly
codegen_flags: <defaults>
</compile_context>

<pallas_src>
import functools

import jax
import jax.numpy as jnp
import numpy as np
from jax import lax
from jax.experimental import pallas as pl
from jax.experimental.pallas import tpu as pltpu
from jax.experimental.pallas import tpu_sc as plsc

N = 10000
K = 16
P = 16
IN_F = 32
OUT_F = 32
RADIUS2 = 1.0
KP_EXTENT = 0.2

RB = 128
NBLK = 80
NPAD = NBLK * RB
PADPOS = 1.0e6

RBC = 256
NBLKC = NPAD // RBC

DG = 48
BTOT = NPAD * K
NWORK = 32
B_PER_W = BTOT // NWORK
CHUNK = 640
NCHUNK_W = B_PER_W // CHUNK


def _knn_body(pos_blk, posT, nbr_ref):
    bx = pos_blk[:, 0:1]
    by = pos_blk[:, 1:2]
    bz = pos_blk[:, 2:3]
    px = posT[0:1, :]
    py = posT[1:2, :]
    pz = posT[2:3, :]
    dx = bx - px
    dy = by - py
    dz = bz - pz
    d2 = dx * dx + dy * dy + dz * dz
    iota_row = lax.broadcasted_iota(jnp.int32, (1, NPAD), 1)
    lane_k = lax.broadcasted_iota(jnp.int32, (1, K), 1)
    nbr = jnp.zeros((RB, K), jnp.int32)
    for k in range(K):
        m = jnp.min(d2, axis=1, keepdims=True)
        idx = jnp.min(jnp.where(d2 == m, iota_row, NPAD), axis=1, keepdims=True)
        nbr = jnp.where(lane_k == k, idx, nbr)
        d2 = jnp.where(iota_row == idx, jnp.float32(np.inf), d2)
    nbr_ref[...] = nbr


def _knn(pos_pad, posT8):
    return pl.pallas_call(
        _knn_body,
        grid=(NBLK,),
        in_specs=[
            pl.BlockSpec((RB, 3), lambda i: (i, 0)),
            pl.BlockSpec((8, NPAD), lambda i: (0, 0)),
        ],
        out_specs=pl.BlockSpec((RB, K), lambda i: (i, 0)),
        out_shape=jax.ShapeDtypeStruct((NPAD, K), jnp.int32),
    )(pos_pad, posT8)


def _gather(table, idx_flat):
    mesh = plsc.VectorSubcoreMesh(core_axis_name="c", subcore_axis_name="s")

    @functools.partial(
        pl.kernel,
        out_type=jax.ShapeDtypeStruct((BTOT, DG), jnp.float32),
        mesh=mesh,
        scratch_types=[
            pltpu.VMEM((CHUNK,), jnp.int32),
            pltpu.VMEM((CHUNK, DG), jnp.float32),
            pltpu.SemaphoreType.DMA,
        ],
        compiler_params=pltpu.CompilerParams(use_tc_tiling_on_sc=False),
    )
    def gk(table_hbm, idx_hbm, out_hbm, idx_v, rows_v, sem):
        wid = lax.axis_index("s") * 2 + lax.axis_index("c")
        base = wid * B_PER_W

        def body(c, carry):
            off = base + c * CHUNK
            pltpu.sync_copy(idx_hbm.at[pl.ds(off, CHUNK)], idx_v)
            pltpu.async_copy(table_hbm.at[idx_v], rows_v, sem).wait()
            pltpu.sync_copy(rows_v, out_hbm.at[pl.ds(off, CHUNK)])
            return carry

        lax.fori_loop(0, NCHUNK_W, body, 0)

    return gk(table, idx_flat)


def _conv_body(xj, pos_rep, kt, w_cat2, out_ref):
    feats = xj[:, 0:IN_F]
    dx = xj[:, 32:33] - pos_rep[:, 0:1]
    dy = xj[:, 33:34] - pos_rep[:, 1:2]
    dz = xj[:, 34:35] - pos_rep[:, 2:3]
    maskc = ((dx * dx + dy * dy + dz * dz) <= RADIUS2).astype(jnp.float32)
    ddx = dx - kt[0:1, :]
    ddy = dy - kt[1:2, :]
    ddz = dz - kt[2:3, :]
    nrm = jnp.sqrt(ddx * ddx + ddy * ddy + ddz * ddz)
    den = jnp.maximum(nrm, 1e-12)
    s = ddx / den + ddy / den + ddz / den
    w = 1.0 - jnp.sqrt(jnp.maximum(s, 0.0)) / KP_EXTENT
    w = jnp.where(w < 0.0, 0.0, w)
    mrow = jnp.min(s, axis=1, keepdims=True)
    i16 = lax.broadcasted_iota(jnp.int32, (1, P), 1)
    cidx = jnp.min(jnp.where(s == mrow, i16, P), axis=1, keepdims=True)
    w_sel = jnp.sum(jnp.where(i16 == cidx, w, 0.0), axis=1, keepdims=True)
    wx = feats * (w_sel * maskc)
    wxt = jnp.concatenate([wx] * P, axis=1)
    lane_p = lax.broadcasted_iota(jnp.int32, (1, P * OUT_F), 1) // OUT_F
    xhat = jnp.where(lane_p == cidx, wxt, 0.0)
    agg = jnp.sum(xhat.reshape(RBC, K, P * IN_F), axis=1)
    acc = jnp.dot(agg, w_cat2[...])
    cnt = jnp.sum(maskc.reshape(RBC, K, 1), axis=1)
    out_ref[...] = acc / jnp.maximum(cnt, 1.0)


def _conv(xj, pos_rep, kt8, w_cat2):
    return pl.pallas_call(
        _conv_body,
        grid=(NBLKC,),
        in_specs=[
            pl.BlockSpec((RBC * K, DG), lambda i: (i, 0)),
            pl.BlockSpec((RBC * K, 3), lambda i: (i, 0)),
            pl.BlockSpec((8, P), lambda i: (0, 0)),
            pl.BlockSpec((P * IN_F, OUT_F), lambda i: (0, 0)),
        ],
        out_specs=pl.BlockSpec((RBC, OUT_F), lambda i: (i, 0)),
        out_shape=jax.ShapeDtypeStruct((NPAD, OUT_F), jnp.float32),
    )(xj, pos_rep, kt8, w_cat2)


def kernel(x, pos, batch, K_points, K_weights):
    del batch
    pos_pad = jnp.full((NPAD, 3), PADPOS, jnp.float32).at[:N].set(pos)
    posT8 = jnp.zeros((8, NPAD), jnp.float32).at[:3].set(pos_pad.T)

    nbr = _knn(pos_pad, posT8)
    idx_flat = jnp.minimum(nbr.reshape(-1), N - 1)

    table = jnp.zeros((N, DG), jnp.float32)
    table = table.at[:, :IN_F].set(x).at[:, 32:35].set(pos)
    xj = _gather(table, idx_flat)

    pos_rep = jnp.repeat(pos_pad, K, axis=0)
    kt8 = jnp.zeros((8, P), jnp.float32).at[:3].set(K_points.T)
    w_cat2 = jnp.transpose(K_weights, (0, 2, 1)).reshape(P * IN_F, OUT_F)

    out = _conv(xj, pos_rep, kt8, w_cat2)
    return out[:N]

# --- scband reference (transcript-rebuilt; emitter-appended) ---
"""Pipeline reference for scband-kpconv-69148973466332 (READ-ONLY COPY).

The authoritative reference and input builder live on the scoring server;
editing this copy changes nothing except your own understanding.
"""

import jax, jax.numpy as jnp
import numpy as np

N = 10000
K = 16          # max_num_neighbors == num_points
P = 16          # kernel points (num_kernels=1 * num_points)
IN_F = 32
OUT_F = 32
RADIUS = 1.0
KP_EXTENT = 0.2
BOX = 14.0      # box side so ~16 neighbors fall within radius 1.0
NCHUNK = 20


def _kernel_points():
    # deterministic stand-in for kernel_point_optimization_debug (fixed='center')
    rs = np.random.RandomState(0)
    pts = rs.uniform(-1.0, 1.0, size=(P, 3)).astype(np.float32)
    nrm = np.linalg.norm(pts, axis=1, keepdims=True)
    nrm[nrm < 1e-6] = 1.0
    pts = pts / nrm * rs.uniform(0.0, RADIUS, size=(P, 1)).astype(np.float32)
    pts[0] = 0.0
    return pts


def setup_inputs(seed: int = 0) -> dict:
    key = jax.random.key(seed)
    k1, k2, k3 = jax.random.split(key, 3)
    x = jax.random.normal(k1, (N, IN_F), dtype=jnp.float32)
    pos = jax.random.uniform(k2, (N, 3), dtype=jnp.float32) * BOX
    batch = jnp.zeros((N,), dtype=jnp.int32)
    bound = 1.0 / np.sqrt(OUT_F * IN_F)  # kaiming_uniform(a=sqrt(5)) bound
    K_weights = jax.random.uniform(k3, (P, OUT_F, IN_F), minval=-bound, maxval=bound, dtype=jnp.float32)
    K_points = jnp.asarray(_kernel_points())
    return {"x": x, "pos": pos, "batch": batch, "K_points": K_points, "K_weights": K_weights}


def _radius_knn(pos):
    # radius(pos, pos, RADIUS, max_num_neighbors=K): K nearest within radius, masked
    def body(chunk):
        d2 = jnp.sum((chunk[:, None, :] - pos[None, :, :]) ** 2, axis=-1)
        neg, idx = jax.lax.top_k(-d2, K)
        return idx, (-neg) <= RADIUS * RADIUS
    chunks = pos.reshape(NCHUNK, N // NCHUNK, 3)
    idx, mask = jax.lax.map(body, chunks)
    return idx.reshape(N, K), mask.reshape(N, K)


def _forward(x, pos, K_points, K_weights):
    nbr, mask = _radius_knn(pos)
    # torch.cat([x, pos]) -- intended feature-dim concat (message slices last kernel_dim cols)
    x_cat = jnp.concatenate([x, pos], axis=1)           # [N, IN_F+3]
    x_j = jnp.take(x_cat, nbr, axis=0)                  # [N, K, IN_F+3]
    neighborhood_features = x_j[..., :-3]               # [N, K, IN_F]
    p_i = pos[:, None, :]
    p_j = x_j[..., -3:]
    neighbors = p_j - p_i                               # [N, K, 3]
    differences = neighbors[:, :, None, :] - K_points[None, None, :, :]  # [N,K,P,3]
    nrm = jnp.sqrt(jnp.sum(differences * differences, axis=-1, keepdims=True))
    unit = differences / jnp.maximum(nrm, 1e-12)        # F.normalize(p=2, dim=-1)
    sq_distances = jnp.sum(unit, axis=-1)               # [N, K, P]
    all_weights = 1.0 - jnp.sqrt(jnp.maximum(sq_distances, 0.0)) / KP_EXTENT
    all_weights = jnp.where(all_weights < 0.0, 0.0, all_weights)
    closest = jnp.argmin(sq_distances, axis=-1)         # [N, K]
    w_sel = jnp.take_along_axis(all_weights, closest[..., None], axis=-1)  # [N,K,1]
    W_sel = jnp.take(K_weights, closest, axis=0)        # [N, K, OUT_F, IN_F] -- big gather
    weighted = w_sel * neighborhood_features            # [N, K, IN_F]
    msg = jnp.einsum('nkab,nkb->nka', W_sel, weighted)  # [N, K, OUT_F]
    m = mask[..., None].astype(msg.dtype)
    out = jnp.sum(msg * m, axis=1) / jnp.maximum(jnp.sum(m, axis=1), 1.0)  # aggr='mean'
    return out


def reference(x, pos, batch, K_points, K_weights):
    del batch  # single point cloud
    return _forward(x, pos, K_points, K_weights)

if __name__ == "__main__":
    import jax
    _d = setup_inputs()
    print(jax.jit(kernel)(*tuple(_d.values())))

</pallas_src>

<mosaic_0001>
#map = affine_map<(d0, d1) -> (0, 0)>
#map1 = affine_map<(d0, d1) -> (0)>
module attributes {stable_mosaic.version = 14 : i64} {
  func.func @gk(%arg0: i32, %arg1: i32, %arg2: memref<10000x48xf32, #tpu.memory_space<hbm>>, %arg3: memref<163840xi32, #tpu.memory_space<hbm>>, %arg4: memref<163840x48xf32, #tpu.memory_space<hbm>>, %arg5: memref<640xi32, #tpu.memory_space<vmem>>, %arg6: memref<640x48xf32, #tpu.memory_space<vmem>>, %arg7: memref<!tpu.dma_semaphore, #tpu.memory_space<semaphore_mem>>) attributes {dimension_semantics = [#tpu.dimension_semantics<core_parallel>, #tpu.dimension_semantics<subcore_parallel>], iteration_bounds = array<i64: 2, 16>, scalar_prefetch = 0 : i64, scratch_operands = 3 : i64, tpu.core_type = #tpu.core_type<sc_vector_subcore>, window_params = [{transform_indices = #map}, {transform_indices = #map1}, {transform_indices = #map}]} {
    %mul3A = arith.constant 2 : i32
    %mul3A_0 = arith.muli %arg1, %mul3A : i32
    %add3A = arith.addi %mul3A_0, %arg0 : i32
    %mul3A_1 = arith.constant 5120 : i32
    %mul3A_2 = arith.muli %add3A, %mul3A_1 : i32
    %scan3A = arith.constant 0 : i32
    %scan3A_3 = arith.constant 0 : i32
    %scan3A_4 = arith.constant 8 : i32
    %scan3A_5 = arith.addi %scan3A_3, %scan3A_4 : i32
    %scan3A_6 = arith.constant 1 : i32
    scf.for %scan3A_8 = %scan3A_3 to %scan3A_5 step %scan3A_6  : i32 {
      %mul3A_9 = arith.constant 640 : i32
      %mul3A_10 = arith.muli %scan3A_8, %mul3A_9 : i32
      %add3A_11 = arith.addi %mul3A_2, %mul3A_10 : i32
      "tpu.region"() ({
        %run_scoped3A = tpu.sem_alloc : memref<!tpu.dma_semaphore, #tpu.memory_space<semaphore_mem>>
        %dma_start3A_16 = tpu.memref_slice %arg3[%add3A_11] : memref<163840xi32, #tpu.memory_space<hbm>> -> memref<640xi32, #tpu.memory_space<hbm>>
        %dma_start3A_17 = tpu.memref_slice %arg3[%add3A_11] : memref<163840xi32, #tpu.memory_space<hbm>> -> memref<640xi32, #tpu.memory_space<hbm>>
        tpu.enqueue_dma source(%dma_start3A_17 : memref<640xi32, #tpu.memory_space<hbm>>) target(%arg5 : memref<640xi32, #tpu.memory_space<vmem>>) target_semaphore(%run_scoped3A : memref<!tpu.dma_semaphore, #tpu.memory_space<semaphore_mem>>)
        %dma_wait3A_18 = tpu.memref_slice %arg3[%add3A_11] : memref<163840xi32, #tpu.memory_space<hbm>> -> memref<640xi32, #tpu.memory_space<hbm>>
        %dma_wait3A_19 = tpu.memref_slice %arg3[%add3A_11] : memref<163840xi32, #tpu.memory_space<hbm>> -> memref<640xi32, #tpu.memory_space<hbm>>
        tpu.wait_dma2 semaphore(%run_scoped3A : memref<!tpu.dma_semaphore, #tpu.memory_space<semaphore_mem>>) src(%dma_wait3A_19 : memref<640xi32, #tpu.memory_space<hbm>>) dst(%arg5 : memref<640xi32, #tpu.memory_space<vmem>>)
        tpu.yield
      }) : () -> ()
      %dma_start3A = arith.constant 0 : i32
      %dma_start3A_12 = arith.constant 0 : i32
      %dma_start3A_13 = tpu.memref_slice %arg2[%dma_start3A, %dma_start3A_12] : memref<10000x48xf32, #tpu.memory_space<hbm>> -> memref<10000x48xf32, #tpu.memory_space<hbm>>
      tpu.enqueue_indirect_dma source(%dma_start3A_13 : memref<10000x48xf32, #tpu.memory_space<hbm>>) target(%arg6 : memref<640x48xf32, #tpu.memory_space<vmem>>) offsets(%arg5 : memref<640xi32, #tpu.memory_space<vmem>>) semaphore(%arg7 : memref<!tpu.dma_semaphore, #tpu.memory_space<semaphore_mem>>)
      %dma_wait3A = arith.constant 0 : i32
      %dma_wait3A_14 = arith.constant 0 : i32
      %dma_wait3A_15 = tpu.memref_slice %arg2[%dma_wait3A, %dma_wait3A_14] : memref<10000x48xf32, #tpu.memory_space<hbm>> -> memref<10000x48xf32, #tpu.memory_space<hbm>>
      tpu.wait_indirect_dma semaphore(%arg7 : memref<!tpu.dma_semaphore, #tpu.memory_space<semaphore_mem>>) src(%dma_wait3A_15 : memref<10000x48xf32, #tpu.memory_space<hbm>>) dst(%arg6 : memref<640x48xf32, #tpu.memory_space<vmem>>)
      "tpu.region"() ({
        %run_scoped3A = tpu.sem_alloc : memref<!tpu.dma_semaphore, #tpu.memory_space<semaphore_mem>>
        %dma_start3A_16 = arith.constant 0 : i32
        %dma_start3A_17 = tpu.memref_slice %arg4[%add3A_11, %dma_start3A_16] : memref<163840x48xf32, #tpu.memory_space<hbm>> -> memref<640x48xf32, #tpu.memory_space<hbm>>
        %dma_start3A_18 = arith.constant 0 : i32
        %dma_start3A_19 = tpu.memref_slice %arg4[%add3A_11, %dma_start3A_18] : memref<163840x48xf32, #tpu.memory_space<hbm>> -> memref<640x48xf32, #tpu.memory_space<hbm>>
        tpu.enqueue_dma source(%arg6 : memref<640x48xf32, #tpu.memory_space<vmem>>) target(%dma_start3A_19 : memref<640x48xf32, #tpu.memory_space<hbm>>) target_semaphore(%run_scoped3A : memref<!tpu.dma_semaphore, #tpu.memory_space<semaphore_mem>>)
        %dma_wait3A_20 = arith.constant 0 : i32
        %dma_wait3A_21 = tpu.memref_slice %arg4[%add3A_11, %dma_wait3A_20] : memref<163840x48xf32, #tpu.memory_space<hbm>> -> memref<640x48xf32, #tpu.memory_space<hbm>>
        %dma_wait3A_22 = arith.constant 0 : i32
        %dma_wait3A_23 = tpu.memref_slice %arg4[%add3A_11, %dma_wait3A_22] : memref<163840x48xf32, #tpu.memory_space<hbm>> -> memref<640x48xf32, #tpu.memory_space<hbm>>
        tpu.wait_dma2 semaphore(%run_scoped3A : memref<!tpu.dma_semaphore, #tpu.memory_space<semaphore_mem>>) src(%arg6 : memref<640x48xf32, #tpu.memory_space<vmem>>) dst(%dma_wait3A_23 : memref<640x48xf32, #tpu.memory_space<hbm>>)
        tpu.yield
      }) : () -> ()
    }
    %scan3A_7 = arith.constant 8 : i32
    return
  }
}

module attributes {stable_mosaic.version = 14 : i64} {
  func.func @_knn_body(%arg0: i32, %arg1: memref<128x3xf32, #tpu.memory_space<vmem>>, %arg2: memref<8x10240xf32, #tpu.memory_space<vmem>>, %arg3: memref<128x16xi32, #tpu.memory_space<vmem>>) attributes {dimension_semantics = [#tpu.dimension_semantics<arbitrary>], iteration_bounds = array<i64: 80>, scalar_prefetch = 0 : i64, scratch_operands = 0 : i64, tpu.core_type = #tpu.core_type<tc>, window_params = [{transform_indices = @transform_0, window_bounds = array<i64: 128, 3>}, {pipeline_mode = #tpu.pipeline_mode<synchronous>, transform_indices = @transform_1, window_bounds = array<i64: 8, 10240>}, {transform_indices = @transform_2, window_bounds = array<i64: 128, 16>}]} {
    %get3A = arith.constant 0 : index
    %get3A_0 = arith.constant 0 : index
    %get3A_1 = vector.load %arg1[%get3A, %get3A_0] : memref<128x3xf32, #tpu.memory_space<vmem>>, vector<128x1xf32>
    %get3A_2 = arith.constant 0 : index
    %get3A_3 = arith.constant 1 : index
    %get3A_4 = vector.load %arg1[%get3A_2, %get3A_3] : memref<128x3xf32, #tpu.memory_space<vmem>>, vector<128x1xf32>
    %get3A_5 = arith.constant 0 : index
    %get3A_6 = arith.constant 2 : index
    %get3A_7 = vector.load %arg1[%get3A_5, %get3A_6] : memref<128x3xf32, #tpu.memory_space<vmem>>, vector<128x1xf32>
    %get3A_8 = arith.constant 0 : index
    %get3A_9 = arith.constant 0 : index
    %get3A_10 = vector.load %arg2[%get3A_8, %get3A_9] : memref<8x10240xf32, #tpu.memory_space<vmem>>, vector<1x10240xf32>
    %get3A_11 = arith.constant 1 : index
    %get3A_12 = arith.constant 0 : index
    %get3A_13 = vector.load %arg2[%get3A_11, %get3A_12] : memref<8x10240xf32, #tpu.memory_space<vmem>>, vector<1x10240xf32>
    %get3A_14 = arith.constant 2 : index
    %get3A_15 = arith.constant 0 : index
    %get3A_16 = vector.load %arg2[%get3A_14, %get3A_15] : memref<8x10240xf32, #tpu.memory_space<vmem>>, vector<1x10240xf32>
    %sub3A = vector.broadcast %get3A_1 : vector<128x1xf32> to vector<128x10240xf32>
    %sub3A_17 = vector.broadcast %get3A_10 : vector<1x10240xf32> to vector<128x10240xf32>
    %sub3A_18 = arith.subf %sub3A, %sub3A_17 : vector<128x10240xf32>
    %sub3A_19 = vector.broadcast %get3A_4 : vector<128x1xf32> to vector<128x10240xf32>
    %sub3A_20 = vector.broadcast %get3A_13 : vector<1x10240xf32> to vector<128x10240xf32>
    %sub3A_21 = arith.subf %sub3A_19, %sub3A_20 : vector<128x10240xf32>
    %sub3A_22 = vector.broadcast %get3A_7 : vector<128x1xf32> to vector<128x10240xf32>
    %sub3A_23 = vector.broadcast %get3A_16 : vector<1x10240xf32> to vector<128x10240xf32>
    %sub3A_24 = arith.subf %sub3A_22, %sub3A_23 : vector<128x10240xf32>
    %mul3A = arith.mulf %sub3A_18, %sub3A_18 : vector<128x10240xf32>
    %mul3A_25 = arith.mulf %sub3A_21, %sub3A_21 : vector<128x10240xf32>
    %add3A = arith.addf %mul3A, %mul3A_25 : vector<128x10240xf32>
    %mul3A_26 = arith.mulf %sub3A_24, %sub3A_24 : vector<128x10240xf32>
    %add3A_27 = arith.addf %add3A, %mul3A_26 : vector<128x10240xf32>
    %iota3A = tpu.iota {dimensions = array<i32: 1>} : vector<1x10240xi32>
    %iota3A_28 = tpu.iota {dimensions = array<i32: 1>} : vector<1x16xi32>
    %broadcast_in_dim3A = arith.constant 0 : i32
    %broadcast_in_dim3A_29 = vector.broadcast %broadcast_in_dim3A : i32 to vector<128x16xi32>
    %reduce_min3A = arith.constant dense<0x7F800000> : vector<128xf32>
    %reduce_min3A_30 = vector.multi_reduction <minimumf>, %add3A_27, %reduce_min3A [1] : vector<128x10240xf32> to vector<128xf32>
    %broadcast_in_dim3A_31 = vector.shape_cast %reduce_min3A_30 : vector<128xf32> to vector<128x1xf32>
    %eq3A = vector.broadcast %broadcast_in_dim3A_31 : vector<128x1xf32> to vector<128x10240xf32>
    %eq3A_32 = arith.cmpf oeq, %add3A_27, %eq3A : vector<128x10240xf32>
    %jit3A = arith.constant 10240 : i32
    %broadcast_in_dim3A_33 = vector.shape_cast %iota3A : vector<1x10240xi32> to vector<1x10240xi32>
    %broadcast_in_dim3A_34 = vector.broadcast %broadcast_in_dim3A_33 : vector<1x10240xi32> to vector<128x10240xi32>
    %broadcast_in_dim3A_35 = vector.broadcast %jit3A : i32 to vector<128x10240xi32>
    %select_n3A = arith.select %eq3A_32, %broadcast_in_dim3A_34, %broadcast_in_dim3A_35 : vector<128x10240xi1>, vector<128x10240xi32>
    %reduce_min3A_36 = arith.constant dense<2147483647> : vector<128xi32>
    %reduce_min3A_37 = vector.multi_reduction <minsi>, %select_n3A, %reduce_min3A_36 [1] : vector<128x10240xi32> to vector<128xi32>
    %broadcast_in_dim3A_38 = vector.shape_cast %reduce_min3A_37 : vector<128xi32> to vector<128x1xi32>
    %eq3A_39 = arith.constant 0 : i32
    %eq3A_40 = vector.broadcast %eq3A_39 : i32 to vector<1x16xi32>
    %eq3A_41 = arith.cmpi eq, %iota3A_28, %eq3A_40 : vector<1x16xi32>
    %broadcast_in_dim3A_42 = vector.shape_cast %eq3A_41 : vector<1x16xi1> to vector<1x16xi1>
    %broadcast_in_dim3A_43 = vector.broadcast %broadcast_in_dim3A_42 : vector<1x16xi1> to vector<128x16xi1>
    %broadcast_in_dim3A_44 = vector.shape_cast %broadcast_in_dim3A_38 : vector<128x1xi32> to vector<128x1xi32>
    %broadcast_in_dim3A_45 = vector.broadcast %broadcast_in_dim3A_44 : vector<128x1xi32> to vector<128x16xi32>
    %select_n3A_46 = arith.select %broadcast_in_dim3A_43, %broadcast_in_dim3A_45, %broadcast_in_dim3A_29 : vector<128x16xi1>, vector<128x16xi32>
    %eq3A_47 = vector.broadcast %iota3A : vector<1x10240xi32> to vector<128x10240xi32>
    %eq3A_48 = vector.broadcast %broadcast_in_dim3A_38 : vector<128x1xi32> to vector<128x10240xi32>
    %eq3A_49 = arith.cmpi eq, %eq3A_47, %eq3A_48 : vector<128x10240xi32>
    %jit3A_50 = arith.constant 0x7F800000 : f32
    %broadcast_in_dim3A_51 = vector.broadcast %jit3A_50 : f32 to vector<128x10240xf32>
    %select_n3A_52 = arith.select %eq3A_49, %broadcast_in_dim3A_51, %add3A_27 : vector<128x10240xi1>, vector<128x10240xf32>
    %reduce_min3A_53 = arith.constant dense<0x7F800000> : vector<128xf32>
    %reduce_min3A_54 = vector.multi_reduction <minimumf>, %select_n3A_52, %reduce_min3A_53 [1] : vector<128x10240xf32> to vector<128xf32>
    %broadcast_in_dim3A_55 = vector.shape_cast %reduce_min3A_54 : vector<128xf32> to vector<128x1xf32>
    %eq3A_56 = vector.broadcast %broadcast_in_dim3A_55 : vector<128x1xf32> to vector<128x10240xf32>
    %eq3A_57 = arith.cmpf oeq, %select_n3A_52, %eq3A_56 : vector<128x10240xf32>
    %jit3A_58 = arith.constant 10240 : i32
    %broadcast_in_dim3A_59 = vector.shape_cast %iota3A : vector<1x10240xi32> to vector<1x10240xi32>
    %broadcast_in_dim3A_60 = vector.broadcast %broadcast_in_dim3A_59 : vector<1x10240xi32> to vector<128x10240xi32>
    %broadcast_in_dim3A_61 = vector.broadcast %jit3A_58 : i32 to vector<128x10240xi32>
    %select_n3A_62 = arith.select %eq3A_57, %broadcast_in_dim3A_60, %broadcast_in_dim3A_61 : vector<128x10240xi1>, vector<128x10240xi32>
    %reduce_min3A_63 = arith.constant dense<2147483647> : vector<128xi32>
    %reduce_min3A_64 = vector.multi_reduction <minsi>, %select_n3A_62, %reduce_min3A_63 [1] : vector<128x10240xi32> to vector<128xi32>
    %broadcast_in_dim3A_65 = vector.shape_cast %reduce_min3A_64 : vector<128xi32> to vector<128x1xi32>
    %eq3A_66 = arith.constant 1 : i32
    %eq3A_67 = vector.broadcast %eq3A_66 : i32 to vector<1x16xi32>
    %eq3A_68 = arith.cmpi eq, %iota3A_28, %eq3A_67 : vector<1x16xi32>
    %broadcast_in_dim3A_69 = vector.shape_cast %eq3A_68 : vector<1x16xi1> to vector<1x16xi1>
    %broadcast_in_dim3A_70 = vector.broadcast %broadcast_in_dim3A_69 : vector<1x16xi1> to vector<128x16xi1>
    %broadcast_in_dim3A_71 = vector.shape_cast %broadcast_in_dim3A_65 : vector<128x1xi32> to vector<128x1xi32>
    %broadcast_in_dim3A_72 = vector.broadcast %broadcast_in_dim3A_71 : vector<128x1xi32> to vector<128x16xi32>
    %select_n3A_73 = arith.select %broadcast_in_dim3A_70, %broadcast_in_dim3A_72, %select_n3A_46 : vector<128x16xi1>, vector<128x16xi32>
    %eq3A_74 = vector.broadcast %iota3A : vector<1x10240xi32> to vector<128x10240xi32>
    %eq3A_75 = vector.broadcast %broadcast_in_dim3A_65 : vector<128x1xi32> to vector<128x10240xi32>
    %eq3A_76 = arith.cmpi eq, %eq3A_74, %eq3A_75 : vector<128x10240xi32>
    %jit3A_77 = arith.constant 0x7F800000 : f32
    %broadcast_in_dim3A_78 = vector.broadcast %jit3A_77 : f32 to vector<128x10240xf32>
    %select_n3A_79 = arith.select %eq3A_76, %broadcast_in_dim3A_78, %select_n3A_52 : vector<128x10240xi1>, vector<128x10240xf32>
    %reduce_min3A_80 = arith.constant dense<0x7F800000> : vector<128xf32>
    %reduce_min3A_81 = vector.multi_reduction <minimumf>, %select_n3A_79, %reduce_min3A_80 [1] : vector<128x10240xf32> to vector<128xf32>
    %broadcast_in_dim3A_82 = vector.shape_cast %reduce_min3A_81 : vector<128xf32> to vector<128x1xf32>
    %eq3A_83 = vector.broadcast %broadcast_in_dim3A_82 : vector<128x1xf32> to vector<128x10240xf32>
    %eq3A_84 = arith.cmpf oeq, %select_n3A_79, %eq3A_83 : vector<128x10240xf32>
    %jit3A_85 = arith.constant 10240 : i32
    %broadcast_in_dim3A_86 = vector.shape_cast %iota3A : vector<1x10240xi32> to vector<1x10240xi32>
    %broadcast_in_dim3A_87 = vector.broadcast %broadcast_in_dim3A_86 : vector<1x10240xi32> to vector<128x10240xi32>
    %broadcast_in_dim3A_88 = vector.broadcast %jit3A_85 : i32 to vector<128x10240xi32>
    %select_n3A_89 = arith.select %eq3A_84, %broadcast_in_dim3A_87, %broadcast_in_dim3A_88 : vector<128x10240xi1>, vector<128x10240xi32>
    %reduce_min3A_90 = arith.constant dense<2147483647> : vector<128xi32>
    %reduce_min3A_91 = vector.multi_reduction <minsi>, %select_n3A_89, %reduce_min3A_90 [1] : vector<128x10240xi32> to vector<128xi32>
    %broadcast_in_dim3A_92 = vector.shape_cast %reduce_min3A_91 : vector<128xi32> to vector<128x1xi32>
    %eq3A_93 = arith.constant 2 : i32
    %eq3A_94 = vector.broadcast %eq3A_93 : i32 to vector<1x16xi32>
    %eq3A_95 = arith.cmpi eq, %iota3A_28, %eq3A_94 : vector<1x16xi32>
    %broadcast_in_dim3A_96 = vector.shape_cast %eq3A_95 : vector<1x16xi1> to vector<1x16xi1>
    %broadcast_in_dim3A_97 = vector.broadcast %broadcast_in_dim3A_96 : vector<1x16xi1> to vector<128x16xi1>
    %broadcast_in_dim3A_98 = vector.shape_cast %broadcast_in_dim3A_92 : vector<128x1xi32> to vector<128x1xi32>
    %broadcast_in_dim3A_99 = vector.broadcast %broadcast_in_dim3A_98 : vector<128x1xi32> to vector<128x16xi32>
    %select_n3A_100 = arith.select %broadcast_in_dim3A_97, %broadcast_in_dim3A_99, %select_n3A_73 : vector<128x16xi1>, vector<128x16xi32>
    %eq3A_101 = vector.broadcast %iota3A : vector<1x10240xi32> to vector<128x10240xi32>
    %eq3A_102 = vector.broadcast %broadcast_in_dim3A_92 : vector<128x1xi32> to vector<128x10240xi32>
    %eq3A_103 = arith.cmpi eq, %eq3A_101, %eq3A_102 : vector<128x10240xi32>
    %jit3A_104 = arith.constant 0x7F800000 : f32
    %broadcast_in_dim3A_105 = vector.broadcast %jit3A_104 : f32 to vector<128x10240xf32>
    %select_n3A_106 = arith.select %eq3A_103, %broadcast_in_dim3A_105, %select_n3A_79 : vector<128x10240xi1>, vector<128x10240xf32>
    %reduce_min3A_107 = arith.constant dense<0x7F800000> : vector<128xf32>
    %reduce_min3A_108 = vector.multi_reduction <minimumf>, %select_n3A_106, %reduce_min3A_107 [1] : vector<128x10240xf32> to vector<128xf32>
    %broadcast_in_dim3A_109 = vector.shape_cast %reduce_min3A_108 : vector<128xf32> to vector<128x1xf32>
    %eq3A_110 = vector.broadcast %broadcast_in_dim3A_109 : vector<128x1xf32> to vector<128x10240xf32>
    %eq3A_111 = arith.cmpf oeq, %select_n3A_106, %eq3A_110 : vector<128x10240xf32>
    %jit3A_112 = arith.constant 10240 : i32
    %broadcast_in_dim3A_113 = vector.shape_cast %iota3A : vector<1x10240xi32> to vector<1x10240xi32>
    %broadcast_in_dim3A_114 = vector.broadcast %broadcast_in_dim3A_113 : vector<1x10240xi32> to vector<128x10240xi32>
    %broadcast_in_dim3A_115 = vector.broadcast %jit3A_112 : i32 to vector<128x10240xi32>
    %select_n3A_116 = arith.select %eq3A_111, %broadcast_in_dim3A_114, %broadcast_in_dim3A_115 : vector<128x10240xi1>, vector<128x10240xi32>
    %reduce_min3A_117 = arith.constant dense<2147483647> : vector<128xi32>
    %reduce_min3A_118 = vector.multi_reduction <minsi>, %select_n3A_116, %reduce_min3A_117 [1] : vector<128x10240xi32> to vector<128xi32>
    %broadcast_in_dim3A_119 = vector.shape_cast %reduce_min3A_118 : vector<128xi32> to vector<128x1xi32>
    %eq3A_120 = arith.constant 3 : i32
    %eq3A_121 = vector.broadcast %eq3A_120 : i32 to vector<1x16xi32>
    %eq3A_122 = arith.cmpi eq, %iota3A_28, %eq3A_121 : vector<1x16xi32>
    %broadcast_in_dim3A_123 = vector.shape_cast %eq3A_122 : vector<1x16xi1> to vector<1x16xi1>
    %broadcast_in_dim3A_124 = vector.broadcast %broadcast_in_dim3A_123 : vector<1x16xi1> to vector<128x16xi1>
    %broadcast_in_dim3A_125 = vector.shape_cast %broadcast_in_dim3A_119 : vector<128x1xi32> to vector<128x1xi32>
    %broadcast_in_dim3A_126 = vector.broadcast %broadcast_in_dim3A_125 : vector<128x1xi32> to vector<128x16xi32>
    %select_n3A_127 = arith.select %broadcast_in_dim3A_124, %broadcast_in_dim3A_126, %select_n3A_100 : vector<128x16xi1>, vector<128x16xi32>
    %eq3A_128 = vector.broadcast %iota3A : vector<1x10240xi32> to vector<128x10240xi32>
    %eq3A_129 = vector.broadcast %broadcast_in_dim3A_119 : vector<128x1xi32> to vector<128x10240xi32>
    %eq3A_130 = arith.cmpi eq, %eq3A_128, %eq3A_129 : vector<128x10240xi32>
    %jit3A_131 = arith.constant 0x7F800000 : f32
    %broadcast_in_dim3A_132 = vector.broadcast %jit3A_131 : f32 to vector<128x10240xf32>
    %select_n3A_133 = arith.select %eq3A_130, %broadcast_in_dim3A_132, %select_n3A_106 : vector<128x10240xi1>, vector<128x10240xf32>
    %reduce_min3A_134 = arith.constant dense<0x7F800000> : vector<128xf32>
    %reduce_min3A_135 = vector.multi_reduction <minimumf>, %select_n3A_133, %reduce_min3A_134 [1] : vector<128x10240xf32> to vector<128xf32>
    %broadcast_in_dim3A_136 = vector.shape_cast %reduce_min3A_135 : vector<128xf32> to vector<128x1xf32>
    %eq3A_137 = vector.broadcast %broadcast_in_dim3A_136 : vector<128x1xf32> to vector<128x10240xf32>
    %eq3A_138 = arith.cmpf oeq, %select_n3A_133, %eq3A_137 : vector<128x10240xf32>
    %jit3A_139 = arith.constant 10240 : i32
    %broadcast_in_dim3A_140 = vector.shape_cast %iota3A : vector<1x10240xi32> to vector<1x10240xi32>
    %broadcast_in_dim3A_141 = vector.broadcast %broadcast_in_dim3A_140 : vector<1x10240xi32> to vector<128x10240xi32>
    %broadcast_in_dim3A_142 = vector.broadcast %jit3A_139 : i32 to vector<128x10240xi32>
    %select_n3A_143 = arith.select %eq3A_138, %broadcast_in_dim3A_141, %broadcast_in_dim3A_142 : vector<128x10240xi1>, vector<128x10240xi32>
    %reduce_min3A_144 = arith.constant dense<2147483647> : vector<128xi32>
    %reduce_min3A_145 = vector.multi_reduction <minsi>, %select_n3A_143, %reduce_min3A_144 [1] : vector<128x10240xi32> to vector<128xi32>
    %broadcast_in_dim3A_146 = vector.shape_cast %reduce_min3A_145 : vector<128xi32> to vector<128x1xi32>
    %eq3A_147 = arith.constant 4 : i32
    %eq3A_148 = vector.broadcast %eq3A_147 : i32 to vector<1x16xi32>
    %eq3A_149 = arith.cmpi eq, %iota3A_28, %eq3A_148 : vector<1x16xi32>
    %broadcast_in_dim3A_150 = vector.shape_cast %eq3A_149 : vector<1x16xi1> to vector<1x16xi1>
    %broadcast_in_dim3A_151 = vector.broadcast %broadcast_in_dim3A_150 : vector<1x16xi1> to vector<128x16xi1>
    %broadcast_in_dim3A_152 = vector.shape_cast %broadcast_in_dim3A_146 : vector<128x1xi32> to vector<128x1xi32>
    %broadcast_in_dim3A_153 = vector.broadcast %broadcast_in_dim3A_152 : vector<128x1xi32> to vector<128x16xi32>
    %select_n3A_154 = arith.select %broadcast_in_dim3A_151, %broadcast_in_dim3A_153, %select_n3A_127 : vector<128x16xi1>, vector<128x16xi32>
    %eq3A_155 = vector.broadcast %iota3A : vector<1x10240xi32> to vector<128x10240xi32>
    %eq3A_156 = vector.broadcast %broadcast_in_dim3A_146 : vector<128x1xi32> to vector<128x10240xi32>
    %eq3A_157 = arith.cmpi eq, %eq3A_155, %eq3A_156 : vector<128x10240xi32>
    %jit3A_158 = arith.constant 0x7F800000 : f32
    %broadcast_in_dim3A_159 = vector.broadcast %jit3A_158 : f32 to vector<128x10240xf32>
    %select_n3A_160 = arith.select %eq3A_157, %broadcast_in_dim3A_159, %select_n3A_133 : vector<128x10240xi1>, vector<128x10240xf32>
    %reduce_min3A_161 = arith.constant dense<0x7F800000> : vector<128xf32>
    %reduce_min3A_162 = vector.multi_reduction <minimumf>, %select_n3A_160, %reduce_min3A_161 [1] : vector<128x10240xf32> to vector<128xf32>
    %broadcast_in_dim3A_163 = vector.shape_cast %reduce_min3A_162 : vector<128xf32> to vector<128x1xf32>
    %eq3A_164 = vector.broadcast %broadcast_in_dim3A_163 : vector<128x1xf32> to vector<128x10240xf32>
    %eq3A_165 = arith.cmpf oeq, %select_n3A_160, %eq3A_164 : vector<128x10240xf32>
    %jit3A_166 = arith.constant 10240 : i32
    %broadcast_in_dim3A_167 = vector.shape_cast %iota3A : vector<1x10240xi32> to vector<1x10240xi32>
    %broadcast_in_dim3A_168 = vector.broadcast %broadcast_in_dim3A_167 : vector<1x10240xi32> to vector<128x10240xi32>
    %broadcast_in_dim3A_169 = vector.broadcast %jit3A_166 : i32 to vector<128x10240xi32>
    %select_n3A_170 = arith.select %eq3A_165, %broadcast_in_dim3A_168, %broadcast_in_dim3A_169 : vector<128x10240xi1>, vector<128x10240xi32>
    %reduce_min3A_171 = arith.constant dense<2147483647> : vector<128xi32>
    %reduce_min3A_172 = vector.multi_reduction <minsi>, %select_n3A_170, %reduce_min3A_171 [1] : vector<128x10240xi32> to vector<128xi32>
    %broadcast_in_dim3A_173 = vector.shape_cast %reduce_min3A_172 : vector<128xi32> to vector<128x1xi32>
    %eq3A_174 = arith.constant 5 : i32
    %eq3A_175 = vector.broadcast %eq3A_174 : i32 to vector<1x16xi32>
    %eq3A_176 = arith.cmpi eq, %iota3A_28, %eq3A_175 : vector<1x16xi32>
    %broadcast_in_dim3A_177 = vector.shape_cast %eq3A_176 : vector<1x16xi1> to vector<1x16xi1>
    %broadcast_in_dim3A_178 = vector.broadcast %broadcast_in_dim3A_177 : vector<1x16xi1> to vector<128x16xi1>
    %broadcast_in_dim3A_179 = vector.shape_cast %broadcast_in_dim3A_173 : vector<128x1xi32> to vector<128x1xi32>
    %broadcast_in_dim3A_180 = vector.broadcast %broadcast_in_dim3A_179 : vector<128x1xi32> to vector<128x16xi32>
    %select_n3A_181 = arith.select %broadcast_in_dim3A_178, %broadcast_in_dim3A_180, %select_n3A_154 : vector<128x16xi1>, vector<128x16xi32>
    %eq3A_182 = vector.broadcast %iota3A : vector<1x10240xi32> to vector<128x10240xi32>
    %eq3A_183 = vector.broadcast %broadcast_in_dim3A_173 : vector<128x1xi32> to vector<128x10240xi32>
    %eq3A_184 = arith.cmpi eq, %eq3A_182, %eq3A_183 : vector<128x10240xi32>
    %jit3A_185 = arith.constant 0x7F800000 : f32
    %broadcast_in_dim3A_186 = vector.broadcast %jit3A_185 : f32 to vector<128x10240xf32>
    %select_n3A_187 = arith.select %eq3A_184, %broadcast_in_dim3A_186, %select_n3A_160 : vector<128x10240xi1>, vector<128x10240xf32>
    %reduce_min3A_188 = arith.constant dense<0x7F800000> : vector<128xf32>
    %reduce_min3A_189 = vector.multi_reduction <minimumf>, %select_n3A_187, %reduce_min3A_188 [1] : vector<128x10240xf32> to vector<128xf32>
    %broadcast_in_dim3A_190 = vector.shape_cast %reduce_min3A_189 : vector<128xf32> to vector<128x1xf32>
    %eq3A_191 = vector.broadcast %broadcast_in_dim3A_190 : vector<128x1xf32> to vector<128x10240xf32>
    %eq3A_192 = arith.cmpf oeq, %select_n3A_187, %eq3A_191 : vector<128x10240xf32>
    %jit3A_193 = arith.constant 10240 : i32
    %broadcast_in_dim3A_194 = vector.shape_cast %iota3A : vector<1x10240xi32> to vector<1x10240xi32>
    %broadcast_in_dim3A_195 = vector.broadcast %broadcast_in_dim3A_194 : vector<1x10240xi32> to vector<128x10240xi32>
    %broadcast_in_dim3A_196 = vector.broadcast %jit3A_193 : i32 to vector<128x10240xi32>
    %select_n3A_197 = arith.select %eq3A_192, %broadcast_in_dim3A_195, %broadcast_in_dim3A_196 : vector<128x10240xi1>, vector<128x10240xi32>
    %reduce_min3A_198 = arith.constant dense<2147483647> : vector<128xi32>
    %reduce_min3A_199 = vector.multi_reduction <minsi>, %select_n3A_197, %reduce_min3A_198 [1] : vector<128x10240xi32> to vector<128xi32>
    %broadcast_in_dim3A_200 = vector.shape_cast %reduce_min3A_199 : vector<128xi32> to vector<128x1xi32>
    %eq3A_201 = arith.constant 6 : i32
    %eq3A_202 = vector.broadcast %eq3A_201 : i32 to vector<1x16xi32>
    %eq3A_203 = arith.cmpi eq, %iota3A_28, %eq3A_202 : vector<1x16xi32>
    %broadcast_in_dim3A_204 = vector.shape_cast %eq3A_203 : vector<1x16xi1> to vector<1x16xi1>
    %broadcast_in_dim3A_205 = vector.broadcast %broadcast_in_dim3A_204 : vector<1x16xi1> to vector<128x16xi1>
    %broadcast_in_dim3A_206 = vector.shape_cast %broadcast_in_dim3A_200 : vector<128x1xi32> to vector<128x1xi32>
    %broadcast_in_dim3A_207 = vector.broadcast %broadcast_in_dim3A_206 : vector<128x1xi32> to vector<128x16xi32>
    %select_n3A_208 = arith.select %broadcast_in_dim3A_205, %broadcast_in_dim3A_207, %select_n3A_181 : vector<128x16xi1>, vector<128x16xi32>
    %eq3A_209 = vector.broadcast %iota3A : vector<1x10240xi32> to vector<128x10240xi32>
    %eq3A_210 = vector.broadcast %broadcast_in_dim3A_200 : vector<128x1xi32> to vector<128x10240xi32>
    %eq3A_211 = arith.cmpi eq, %eq3A_209, %eq3A_210 : vector<128x10240xi32>
    %jit3A_212 = arith.constant 0x7F800000 : f32
    %broadcast_in_dim3A_213 = vector.broadcast %jit3A_212 : f32 to vector<128x10240xf32>
    %select_n3A_214 = arith.select %eq3A_211, %broadcast_in_dim3A_213, %select_n3A_187 : vector<128x10240xi1>, vector<128x10240xf32>
    %reduce_min3A_215 = arith.constant dense<0x7F800000> : vector<128xf32>
    %reduce_min3A_216 = vector.multi_reduction <minimumf>, %select_n3A_214, %reduce_min3A_215 [1] : vector<128x10240xf32> to vector<128xf32>
    %broadcast_in_dim3A_217 = vector.shape_cast %reduce_min3A_216 : vector<128xf32> to vector<128x1xf32>
    %eq3A_218 = vector.broadcast %broadcast_in_dim3A_217 : vector<128x1xf32> to vector<128x10240xf32>
    %eq3A_219 = arith.cmpf oeq, %select_n3A_214, %eq3A_218 : vector<128x10240xf32>
    %jit3A_220 = arith.constant 10240 : i32
    %broadcast_in_dim3A_221 = vector.shape_cast %iota3A : vector<1x10240xi32> to vector<1x10240xi32>
    %broadcast_in_dim3A_222 = vector.broadcast %broadcast_in_dim3A_221 : vector<1x10240xi32> to vector<128x10240xi32>
    %broadcast_in_dim3A_223 = vector.broadcast %jit3A_220 : i32 to vector<128x10240xi32>
    %select_n3A_224 = arith.select %eq3A_219, %broadcast_in_dim3A_222, %broadcast_in_dim3A_223 : vector<128x10240xi1>, vector<128x10240xi32>
    %reduce_min3A_225 = arith.constant dense<2147483647> : vector<128xi32>
    %reduce_min3A_226 = vector.multi_reduction <minsi>, %select_n3A_224, %reduce_min3A_225 [1] : vector<128x10240xi32> to vector<128xi32>
    %broadcast_in_dim3A_227 = vector.shape_cast %reduce_min3A_226 : vector<128xi32> to vector<128x1xi32>
    %eq3A_228 = arith.constant 7 : i32
    %eq3A_229 = vector.broadcast %eq3A_228 : i32 to vector<1x16xi32>
    %eq3A_230 = arith.cmpi eq, %iota3A_28, %eq3A_229 : vector<1x16xi32>
    %broadcast_in_dim3A_231 = vector.shape_cast %eq3A_230 : vector<1x16xi1> to vector<1x16xi1>
    %broadcast_in_dim3A_232 = vector.broadcast %broadcast_in_dim3A_231 : vector<1x16xi1> to vector<128x16xi1>
    %broadcast_in_dim3A_233 = vector.shape_cast %broadcast_in_dim3A_227 : vector<128x1xi32> to vector<128x1xi32>
    %broadcast_in_dim3A_234 = vector.broadcast %broadcast_in_dim3A_233 : vector<128x1xi32> to vector<128x16xi32>
    %select_n3A_235 = arith.select %broadcast_in_dim3A_232, %broadcast_in_dim3A_234, %select_n3A_208 : vector<128x16xi1>, vector<128x16xi32>
    %eq3A_236 = vector.broadcast %iota3A : vector<1x10240xi32> to vector<128x10240xi32>
    %eq3A_237 = vector.broadcast %broadcast_in_dim3A_227 : vector<128x1xi32> to vector<128x10240xi32>
    %eq3A_238 = arith.cmpi eq, %eq3A_236, %eq3A_237 : vector<128x10240xi32>
    %jit3A_239 = arith.constant 0x7F800000 : f32
    %broadcast_in_dim3A_240 = vector.broadcast %jit3A_239 : f32 to vector<128x10240xf32>
    %select_n3A_241 = arith.select %eq3A_238, %broadcast_in_dim3A_240, %select_n3A_214 : vector<128x10240xi1>, vector<128x10240xf32>
    %reduce_min3A_242 = arith.constant dense<0x7F800000> : vector<128xf32>
    %reduce_min3A_243 = vector.multi_reduction <minimumf>, %select_n3A_241, %reduce_min3A_242 [1] : vector<128x10240xf32> to vector<128xf32>
    %broadcast_in_dim3A_244 = vector.shape_cast %reduce_min3A_243 : vector<128xf32> to vector<128x1xf32>
    %eq3A_245 = vector.broadcast %broadcast_in_dim3A_244 : vector<128x1xf32> to vector<128x10240xf32>
    %eq3A_246 = arith.cmpf oeq, %select_n3A_241, %eq3A_245 : vector<128x10240xf32>
    %jit3A_247 = arith.constant 10240 : i32
    %broadcast_in_dim3A_248 = vector.shape_cast %iota3A : vector<1x10240xi32> to vector<1x10240xi32>
    %broadcast_in_dim3A_249 = vector.broadcast %broadcast_in_dim3A_248 : vector<1x10240xi32> to vector<128x10240xi32>
    %broadcast_in_dim3A_250 = vector.broadcast %jit3A_247 : i32 to vector<128x10240xi32>
    %select_n3A_251 = arith.select %eq3A_246, %broadcast_in_dim3A_249, %broadcast_in_dim3A_250 : vector<128x10240xi1>, vector<128x10240xi32>
    %reduce_min3A_252 = arith.constant dense<2147483647> : vector<128xi32>
    %reduce_min3A_253 = vector.multi_reduction <minsi>, %select_n3A_251, %reduce_min3A_252 [1] : vector<128x10240xi32> to vector<128xi32>
    %broadcast_in_dim3A_254 = vector.shape_cast %reduce_min3A_253 : vector<128xi32> to vector<128x1xi32>
    %eq3A_255 = arith.constant 8 : i32
    %eq3A_256 = vector.broadcast %eq3A_255 : i32 to vector<1x16xi32>
    %eq3A_257 = arith.cmpi eq, %iota3A_28, %eq3A_256 : vector<1x16xi32>
    %broadcast_in_dim3A_258 = vector.shape_cast %eq3A_257 : vector<1x16xi1> to vector<1x16xi1>
    %broadcast_in_dim3A_259 = vector.broadcast %broadcast_in_dim3A_258 : vector<1x16xi1> to vector<128x16xi1>
    %broadcast_in_dim3A_260 = vector.shape_cast %broadcast_in_dim3A_254 : vector<128x1xi32> to vector<128x1xi32>
    %broadcast_in_dim3A_261 = vector.broadcast %broadcast_in_dim3A_260 : vector<128x1xi32> to vector<128x16xi32>
    %select_n3A_262 = arith.select %broadcast_in_dim3A_259, %broadcast_in_dim3A_261, %select_n3A_235 : vector<128x16xi1>, vector<128x16xi32>
    %eq3A_263 = vector.broadcast %iota3A : vector<1x10240xi32> to vector<128x10240xi32>
    %eq3A_264 = vector.broadcast %broadcast_in_dim3A_254 : vector<128x1xi32> to vector<128x10240xi32>
    %eq3A_265 = arith.cmpi eq, %eq3A_263, %eq3A_264 : vector<128x10240xi32>
    %jit3A_266 = arith.constant 0x7F800000 : f32
    %broadcast_in_dim3A_267 = vector.broadcast %jit3A_266 : f32 to vector<128x10240xf32>
    %select_n3A_268 = arith.select %eq3A_265, %broadcast_in_dim3A_267, %select_n3A_241 : vector<128x10240xi1>, vector<128x10240xf32>
    %reduce_min3A_269 = arith.constant dense<0x7F800000> : vector<128xf32>
    %reduce_min3A_270 = vector.multi_reduction <minimumf>, %select_n3A_268, %reduce_min3A_269 [1] : vector<128x10240xf32> to vector<128xf32>
    %broadcast_in_dim3A_271 = vector.shape_cast %reduce_min3A_270 : vector<128xf32> to vector<128x1xf32>
    %eq3A_272 = vector.broadcast %broadcast_in_dim3A_271 : vector<128x1xf32> to vector<128x10240xf32>
    %eq3A_273 = arith.cmpf oeq, %select_n3A_268, %eq3A_272 : vector<128x10240xf32>
    %jit3A_274 = arith.constant 10240 : i32
    %broadcast_in_dim3A_275 = vector.shape_cast %iota3A : vector<1x10240xi32> to vector<1x10240xi32>
    %broadcast_in_dim3A_276 = vector.broadcast %broadcast_in_dim3A_275 : vector<1x10240xi32> to vector<128x10240xi32>
    %broadcast_in_dim3A_277 = vector.broadcast %jit3A_274 : i32 to vector<128x10240xi32>
    %select_n3A_278 = arith.select %eq3A_273, %broadcast_in_dim3A_276, %broadcast_in_dim3A_277 : vector<128x10240xi1>, vector<128x10240xi32>
    %reduce_min3A_279 = arith.constant dense<2147483647> : vector<128xi32>
    %reduce_min3A_280 = vector.multi_reduction <minsi>, %select_n3A_278, %reduce_min3A_279 [1] : vector<128x10240xi32> to vector<128xi32>
    %broadcast_in_dim3A_281 = vector.shape_cast %reduce_min3A_280 : vector<128xi32> to vector<128x1xi32>
    %eq3A_282 = arith.constant 9 : i32
    %eq3A_283 = vector.broadcast %eq3A_282 : i32 to vector<1x16xi32>
    %eq3A_284 = arith.cmpi eq, %iota3A_28, %eq3A_283 : vector<1x16xi32>
    %broadcast_in_dim3A_285 = vector.shape_cast %eq3A_284 : vector<1x16xi1> to vector<1x16xi1>
    %broadcast_in_dim3A_286 = vector.broadcast %broadcast_in_dim3A_285 : vector<1x16xi1> to vector<128x16xi1>
    %broadcast_in_dim3A_287 = vector.shape_cast %broadcast_in_dim3A_281 : vector<128x1xi32> to vector<128x1xi32>
    %broadcast_in_dim3A_288 = vector.broadcast %broadcast_in_dim3A_287 : vector<128x1xi32> to vector<128x16xi32>
    %select_n3A_289 = arith.select %broadcast_in_dim3A_286, %broadcast_in_dim3A_288, %select_n3A_262 : vector<128x16xi1>, vector<128x16xi32>
    %eq3A_290 = vector.broadcast %iota3A : vector<1x10240xi32> to vector<128x10240xi32>
    %eq3A_291 = vector.broadcast %broadcast_in_dim3A_281 : vector<128x1xi32> to vector<128x10240xi32>
    %eq3A_292 = arith.cmpi eq, %eq3A_290, %eq3A_291 : vector<128x10240xi32>
    %jit3A_293 = arith.constant 0x7F800000 : f32
    %broadcast_in_dim3A_294 = vector.broadcast %jit3A_293 : f32 to vector<128x10240xf32>
    %select_n3A_295 = arith.select %eq3A_292, %broadcast_in_dim3A_294, %select_n3A_268 : vector<128x10240xi1>, vector<128x10240xf32>
    %reduce_min3A_296 = arith.constant dense<0x7F800000> : vector<128xf32>
    %reduce_min3A_297 = vector.multi_reduction <minimumf>, %select_n3A_295, %reduce_min3A_296 [1] : vector<128x10240xf32> to vector<128xf32>
    %broadcast_in_dim3A_298 = vector.shape_cast %reduce_min3A_297 : vector<128xf32> to vector<128x1xf32>
    %eq3A_299 = vector.broadcast %broadcast_in_dim3A_298 : vector<128x1xf32> to vector<128x10240xf32>
    %eq3A_300 = arith.cmpf oeq, %select_n3A_295, %eq3A_299 : vector<128x10240xf32>
    %jit3A_301 = arith.constant 10240 : i32
    %broadcast_in_dim3A_302 = vector.shape_cast %iota3A : vector<1x10240xi32> to vector<1x10240xi32>
    %broadcast_in_dim3A_303 = vector.broadcast %broadcast_in_dim3A_302 : vector<1x10240xi32> to vector<128x10240xi32>
    %broadcast_in_dim3A_304 = vector.broadcast %jit3A_301 : i32 to vector<128x10240xi32>
    %select_n3A_305 = arith.select %eq3A_300, %broadcast_in_dim3A_303, %broadcast_in_dim3A_304 : vector<128x10240xi1>, vector<128x10240xi32>
    %reduce_min3A_306 = arith.constant dense<2147483647> : vector<128xi32>
    %reduce_min3A_307 = vector.multi_reduction <minsi>, %select_n3A_305, %reduce_min3A_306 [1] : vector<128x10240xi32> to vector<128xi32>
    %broadcast_in_dim3A_308 = vector.shape_cast %reduce_min3A_307 : vector<128xi32> to vector<128x1xi32>
    %eq3A_309 = arith.constant 10 : i32
    %eq3A_310 = vector.broadcast %eq3A_309 : i32 to vector<1x16xi32>
    %eq3A_311 = arith.cmpi eq, %iota3A_28, %eq3A_310 : vector<1x16xi32>
    %broadcast_in_dim3A_312 = vector.shape_cast %eq3A_311 : vector<1x16xi1> to vector<1x16xi1>
    %broadcast_in_dim3A_313 = vector.broadcast %broadcast_in_dim3A_312 : vector<1x16xi1> to vector<128x16xi1>
    %broadcast_in_dim3A_314 = vector.shape_cast %broadcast_in_dim3A_308 : vector<128x1xi32> to vector<128x1xi32>
    %broadcast_in_dim3A_315 = vector.broadcast %broadcast_in_dim3A_314 : vector<128x1xi32> to vector<128x16xi32>
    %select_n3A_316 = arith.select %broadcast_in_dim3A_313, %broadcast_in_dim3A_315, %select_n3A_289 : vector<128x16xi1>, vector<128x16xi32>
    %eq3A_317 = vector.broadcast %iota3A : vector<1x10240xi32> to vector<128x10240xi32>
    %eq3A_318 = vector.broadcast %broadcast_in_dim3A_308 : vector<128x1xi32> to vector<128x10240xi32>
    %eq3A_319 = arith.cmpi eq, %eq3A_317, %eq3A_318 : vector<128x10240xi32>
    %jit3A_320 = arith.constant 0x7F800000 : f32
    %broadcast_in_dim3A_321 = vector.broadcast %jit3A_320 : f32 to vector<128x10240xf32>
    %select_n3A_322 = arith.select %eq3A_319, %broadcast_in_dim3A_321, %select_n3A_295 : vector<128x10240xi1>, vector<128x10240xf32>
    %reduce_min3A_323 = arith.constant dense<0x7F800000> : vector<128xf32>
    %reduce_min3A_324 = vector.multi_reduction <minimumf>, %select_n3A_322, %reduce_min3A_323 [1] : vector<128x10240xf32> to vector<128xf32>
    %broadcast_in_dim3A_325 = vector.shape_cast %reduce_min3A_324 : vector<128xf32> to vector<128x1xf32>
    %eq3A_326 = vector.broadcast %broadcast_in_dim3A_325 : vector<128x1xf32> to vector<128x10240xf32>
    %eq3A_327 = arith.cmpf oeq, %select_n3A_322, %eq3A_326 : vector<128x10240xf32>
    %jit3A_328 = arith.constant 10240 : i32
    %broadcast_in_dim3A_329 = vector.shape_cast %iota3A : vector<1x10240xi32> to vector<1x10240xi32>
    %broadcast_in_dim3A_330 = vector.broadcast %broadcast_in_dim3A_329 : vector<1x10240xi32> to vector<128x10240xi32>
    %broadcast_in_dim3A_331 = vector.broadcast %jit3A_328 : i32 to vector<128x10240xi32>
    %select_n3A_332 = arith.select %eq3A_327, %broadcast_in_dim3A_330, %broadcast_in_dim3A_331 : vector<128x10240xi1>, vector<128x10240xi32>
    %reduce_min3A_333 = arith.constant dense<2147483647> : vector<128xi32>
    %reduce_min3A_334 = vector.multi_reduction <minsi>, %select_n3A_332, %reduce_min3A_333 [1] : vector<128x10240xi32> to vector<128xi32>
    %broadcast_in_dim3A_335 = vector.shape_cast %reduce_min3A_334 : vector<128xi32> to vector<128x1xi32>
    %eq3A_336 = arith.constant 11 : i32
    %eq3A_337 = vector.broadcast %eq3A_336 : i32 to vector<1x16xi32>
    %eq3A_338 = arith.cmpi eq, %iota3A_28, %eq3A_337 : vector<1x16xi32>
    %broadcast_in_dim3A_339 = vector.shape_cast %eq3A_338 : vector<1x16xi1> to vector<1x16xi1>
    %broadcast_in_dim3A_340 = vector.broadcast %broadcast_in_dim3A_339 : vector<1x16xi1> to vector<128x16xi1>
    %broadcast_in_dim3A_341 = vector.shape_cast %broadcast_in_dim3A_335 : vector<128x1xi32> to vector<128x1xi32>
    %broadcast_in_dim3A_342 = vector.broadcast %broadcast_in_dim3A_341 : vector<128x1xi32> to vector<128x16xi32>
    %select_n3A_343 = arith.select %broadcast_in_dim3A_340, %broadcast_in_dim3A_342, %select_n3A_316 : vector<128x16xi1>, vector<128x16xi32>
    %eq3A_344 = vector.broadcast %iota3A : vector<1x10240xi32> to vector<128x10240xi32>
    %eq3A_345 = vector.broadcast %broadcast_in_dim3A_335 : vector<128x1xi32> to vector<128x10240xi32>
    %eq3A_346 = arith.cmpi eq, %eq3A_344, %eq3A_345 : vector<128x10240xi32>
    %jit3A_347 = arith.constant 0x7F800000 : f32
    %broadcast_in_dim3A_348 = vector.broadcast %jit3A_347 : f32 to vector<128x10240xf32>
    %select_n3A_349 = arith.select %eq3A_346, %broadcast_in_dim3A_348, %select_n3A_322 : vector<128x10240xi1>, vector<128x10240xf32>
    %reduce_min3A_350 = arith.constant dense<0x7F800000> : vector<128xf32>
    %reduce_min3A_351 = vector.multi_reduction <minimumf>, %select_n3A_349, %reduce_min3A_350 [1] : vector<128x10240xf32> to vector<128xf32>
    %broadcast_in_dim3A_352 = vector.shape_cast %reduce_min3A_351 : vector<128xf32> to vector<128x1xf32>
    %eq3A_353 = vector.broadcast %broadcast_in_dim3A_352 : vector<128x1xf32> to vector<128x10240xf32>
    %eq3A_354 = arith.cmpf oeq, %select_n3A_349, %eq3A_353 : vector<128x10240xf32>
    %jit3A_355 = arith.constant 10240 : i32
    %broadcast_in_dim3A_356 = vector.shape_cast %iota3A : vector<1x10240xi32> to vector<1x10240xi32>
    %broadcast_in_dim3A_357 = vector.broadcast %broadcast_in_dim3A_356 : vector<1x10240xi32> to vector<128x10240xi32>
    %broadcast_in_dim3A_358 = vector.broadcast %jit3A_355 : i32 to vector<128x10240xi32>
    %select_n3A_359 = arith.select %eq3A_354, %broadcast_in_dim3A_357, %broadcast_in_dim3A_358 : vector<128x10240xi1>, vector<128x10240xi32>
    %reduce_min3A_360 = arith.constant dense<2147483647> : vector<128xi32>
    %reduce_min3A_361 = vector.multi_reduction <minsi>, %select_n3A_359, %reduce_min3A_360 [1] : vector<128x10240xi32> to vector<128xi32>
    %broadcast_in_dim3A_362 = vector.shape_cast %reduce_min3A_361 : vector<128xi32> to vector<128x1xi32>
    %eq3A_363 = arith.constant 12 : i32
    %eq3A_364 = vector.broadcast %eq3A_363 : i32 to vector<1x16xi32>
    %eq3A_365 = arith.cmpi eq, %iota3A_28, %eq3A_364 : vector<1x16xi32>
    %broadcast_in_dim3A_366 = vector.shape_cast %eq3A_365 : vector<1x16xi1> to vector<1x16xi1>
    %broadcast_in_dim3A_367 = vector.broadcast %broadcast_in_dim3A_366 : vector<1x16xi1> to vector<128x16xi1>
    %broadcast_in_dim3A_368 = vector.shape_cast %broadcast_in_dim3A_362 : vector<128x1xi32> to vector<128x1xi32>
    %broadcast_in_dim3A_369 = vector.broadcast %broadcast_in_dim3A_368 : vector<128x1xi32> to vector<128x16xi32>
    %select_n3A_370 = arith.select %broadcast_in_dim3A_367, %broadcast_in_dim3A_369, %select_n3A_343 : vector<128x16xi1>, vector<128x16xi32>
    %eq3A_371 = vector.broadcast %iota3A : vector<1x10240xi32> to vector<128x10240xi32>
    %eq3A_372 = vector.broadcast %broadcast_in_dim3A_362 : vector<128x1xi32> to vector<128x10240xi32>
    %eq3A_373 = arith.cmpi eq, %eq3A_371, %eq3A_372 : vector<128x10240xi32>
    %jit3A_374 = arith.constant 0x7F800000 : f32
    %broadcast_in_dim3A_375 = vector.broadcast %jit3A_374 : f32 to vector<128x10240xf32>
    %select_n3A_376 = arith.select %eq3A_373, %broadcast_in_dim3A_375, %select_n3A_349 : vector<128x10240xi1>, vector<128x10240xf32>
    %reduce_min3A_377 = arith.constant dense<0x7F800000> : vector<128xf32>
    %reduce_min3A_378 = vector.multi_reduction <minimumf>, %select_n3A_376, %reduce_min3A_377 [1] : vector<128x10240xf32> to vector<128xf32>
    %broadcast_in_dim3A_379 = vector.shape_cast %reduce_min3A_378 : vector<128xf32> to vector<128x1xf32>
    %eq3A_380 = vector.broadcast %broadcast_in_dim3A_379 : vector<128x1xf32> to vector<128x10240xf32>
    %eq3A_381 = arith.cmpf oeq, %select_n3A_376, %eq3A_380 : vector<128x10240xf32>
    %jit3A_382 = arith.constant 10240 : i32
    %broadcast_in_dim3A_383 = vector.shape_cast %iota3A : vector<1x10240xi32> to vector<1x10240xi32>
    %broadcast_in_dim3A_384 = vector.broadcast %broadcast_in_dim3A_383 : vector<1x10240xi32> to vector<128x10240xi32>
    %broadcast_in_dim3A_385 = vector.broadcast %jit3A_382 : i32 to vector<128x10240xi32>
    %select_n3A_386 = arith.select %eq3A_381, %broadcast_in_dim3A_384, %broadcast_in_dim3A_385 : vector<128x10240xi1>, vector<128x10240xi32>
    %reduce_min3A_387 = arith.constant dense<2147483647> : vector<128xi32>
    %reduce_min3A_388 = vector.multi_reduction <minsi>, %select_n3A_386, %reduce_min3A_387 [1] : vector<128x10240xi32> to vector<128xi32>
    %broadcast_in_dim3A_389 = vector.shape_cast %reduce_min3A_388 : vector<128xi32> to vector<128x1xi32>
    %eq3A_390 = arith.constant 13 : i32
    %eq3A_391 = vector.broadcast %eq3A_390 : i32 to vector<1x16xi32>
    %eq3A_392 = arith.cmpi eq, %iota3A_28, %eq3A_391 : vector<1x16xi32>
    %broadcast_in_dim3A_393 = vector.shape_cast %eq3A_392 : vector<1x16xi1> to vector<1x16xi1>
    %broadcast_in_dim3A_394 = vector.broadcast %broadcast_in_dim3A_393 : vector<1x16xi1> to vector<128x16xi1>
    %broadcast_in_dim3A_395 = vector.shape_cast %broadcast_in_dim3A_389 : vector<128x1xi32> to vector<128x1xi32>
    %broadcast_in_dim3A_396 = vector.broadcast %broadcast_in_dim3A_395 : vector<128x1xi32> to vector<128x16xi32>
    %select_n3A_397 = arith.select %broadcast_in_dim3A_394, %broadcast_in_dim3A_396, %select_n3A_370 : vector<128x16xi1>, vector<128x16xi32>
    %eq3A_398 = vector.broadcast %iota3A : vector<1x10240xi32> to vector<128x10240xi32>
    %eq3A_399 = vector.broadcast %broadcast_in_dim3A_389 : vector<128x1xi32> to vector<128x10240xi32>
    %eq3A_400 = arith.cmpi eq, %eq3A_398, %eq3A_399 : vector<128x10240xi32>
    %jit3A_401 = arith.constant 0x7F800000 : f32
    %broadcast_in_dim3A_402 = vector.broadcast %jit3A_401 : f32 to vector<128x10240xf32>
    %select_n3A_403 = arith.select %eq3A_400, %broadcast_in_dim3A_402, %select_n3A_376 : vector<128x10240xi1>, vector<128x10240xf32>
    %reduce_min3A_404 = arith.constant dense<0x7F800000> : vector<128xf32>
    %reduce_min3A_405 = vector.multi_reduction <minimumf>, %select_n3A_403, %reduce_min3A_404 [1] : vector<128x10240xf32> to vector<128xf32>
    %broadcast_in_dim3A_406 = vector.shape_cast %reduce_min3A_405 : vector<128xf32> to vector<128x1xf32>
    %eq3A_407 = vector.broadcast %broadcast_in_dim3A_406 : vector<128x1xf32> to vector<128x10240xf32>
    %eq3A_408 = arith.cmpf oeq, %select_n3A_403, %eq3A_407 : vector<128x10240xf32>
    %jit3A_409 = arith.constant 10240 : i32
    %broadcast_in_dim3A_410 = vector.shape_cast %iota3A : vector<1x10240xi32> to vector<1x10240xi32>
    %broadcast_in_dim3A_411 = vector.broadcast %broadcast_in_dim3A_410 : vector<1x10240xi32> to vector<128x10240xi32>
    %broadcast_in_dim3A_412 = vector.broadcast %jit3A_409 : i32 to vector<128x10240xi32>
    %select_n3A_413 = arith.select %eq3A_408, %broadcast_in_dim3A_411, %broadcast_in_dim3A_412 : vector<128x10240xi1>, vector<128x10240xi32>
    %reduce_min3A_414 = arith.constant dense<2147483647> : vector<128xi32>
    %reduce_min3A_415 = vector.multi_reduction <minsi>, %select_n3A_413, %reduce_min3A_414 [1] : vector<128x10240xi32> to vector<128xi32>
    %broadcast_in_dim3A_416 = vector.shape_cast %reduce_min3A_415 : vector<128xi32> to vector<128x1xi32>
    %eq3A_417 = arith.constant 14 : i32
    %eq3A_418 = vector.broadcast %eq3A_417 : i32 to vector<1x16xi32>
    %eq3A_419 = arith.cmpi eq, %iota3A_28, %eq3A_418 : vector<1x16xi32>
    %broadcast_in_dim3A_420 = vector.shape_cast %eq3A_419 : vector<1x16xi1> to vector<1x16xi1>
    %broadcast_in_dim3A_421 = vector.broadcast %broadcast_in_dim3A_420 : vector<1x16xi1> to vector<128x16xi1>
    %broadcast_in_dim3A_422 = vector.shape_cast %broadcast_in_dim3A_416 : vector<128x1xi32> to vector<128x1xi32>
    %broadcast_in_dim3A_423 = vector.broadcast %broadcast_in_dim3A_422 : vector<128x1xi32> to vector<128x16xi32>
    %select_n3A_424 = arith.select %broadcast_in_dim3A_421, %broadcast_in_dim3A_423, %select_n3A_397 : vector<128x16xi1>, vector<128x16xi32>
    %eq3A_425 = vector.broadcast %iota3A : vector<1x10240xi32> to vector<128x10240xi32>
    %eq3A_426 = vector.broadcast %broadcast_in_dim3A_416 : vector<128x1xi32> to vector<128x10240xi32>
    %eq3A_427 = arith.cmpi eq, %eq3A_425, %eq3A_426 : vector<128x10240xi32>
    %jit3A_428 = arith.constant 0x7F800000 : f32
    %broadcast_in_dim3A_429 = vector.broadcast %jit3A_428 : f32 to vector<128x10240xf32>
    %select_n3A_430 = arith.select %eq3A_427, %broadcast_in_dim3A_429, %select_n3A_403 : vector<128x10240xi1>, vector<128x10240xf32>
    %reduce_min3A_431 = arith.constant dense<0x7F800000> : vector<128xf32>
    %reduce_min3A_432 = vector.multi_reduction <minimumf>, %select_n3A_430, %reduce_min3A_431 [1] : vector<128x10240xf32> to vector<128xf32>
    %broadcast_in_dim3A_433 = vector.shape_cast %reduce_min3A_432 : vector<128xf32> to vector<128x1xf32>
    %eq3A_434 = vector.broadcast %broadcast_in_dim3A_433 : vector<128x1xf32> to vector<128x10240xf32>
    %eq3A_435 = arith.cmpf oeq, %select_n3A_430, %eq3A_434 : vector<128x10240xf32>
    %jit3A_436 = arith.constant 10240 : i32
    %broadcast_in_dim3A_437 = vector.shape_cast %iota3A : vector<1x10240xi32> to vector<1x10240xi32>
    %broadcast_in_dim3A_438 = vector.broadcast %broadcast_in_dim3A_437 : vector<1x10240xi32> to vector<128x10240xi32>
    %broadcast_in_dim3A_439 = vector.broadcast %jit3A_436 : i32 to vector<128x10240xi32>
    %select_n3A_440 = arith.select %eq3A_435, %broadcast_in_dim3A_438, %broadcast_in_dim3A_439 : vector<128x10240xi1>, vector<128x10240xi32>
    %reduce_min3A_441 = arith.constant dense<2147483647> : vector<128xi32>
    %reduce_min3A_442 = vector.multi_reduction <minsi>, %select_n3A_440, %reduce_min3A_441 [1] : vector<128x10240xi32> to vector<128xi32>
    %broadcast_in_dim3A_443 = vector.shape_cast %reduce_min3A_442 : vector<128xi32> to vector<128x1xi32>
    %eq3A_444 = arith.constant 15 : i32
    %eq3A_445 = vector.broadcast %eq3A_444 : i32 to vector<1x16xi32>
    %eq3A_446 = arith.cmpi eq, %iota3A_28, %eq3A_445 : vector<1x16xi32>
    %broadcast_in_dim3A_447 = vector.shape_cast %eq3A_446 : vector<1x16xi1> to vector<1x16xi1>
    %broadcast_in_dim3A_448 = vector.broadcast %broadcast_in_dim3A_447 : vector<1x16xi1> to vector<128x16xi1>
    %broadcast_in_dim3A_449 = vector.shape_cast %broadcast_in_dim3A_443 : vector<128x1xi32> to vector<128x1xi32>
    %broadcast_in_dim3A_450 = vector.broadcast %broadcast_in_dim3A_449 : vector<128x1xi32> to vector<128x16xi32>
    %select_n3A_451 = arith.select %broadcast_in_dim3A_448, %broadcast_in_dim3A_450, %select_n3A_424 : vector<128x16xi1>, vector<128x16xi32>
    %swap3A = arith.constant 0 : index
    %swap3A_452 = arith.constant 0 : index
    %swap3A_453 = vector.load %arg3[%swap3A, %swap3A_452] : memref<128x16xi32, #tpu.memory_space<vmem>>, vector<128x16xi32>
    tpu.vector_store %arg3[%swap3A, %swap3A_452], %select_n3A_451 {strides = array<i32>} : memref<128x16xi32, #tpu.memory_space<vmem>>, vector<128x16xi32>,
    return
  }
  func.func @transform_0(%arg0: i32) -> (i32, i32) {
    %c0_i32 = arith.constant 0 : i32
    %c0_i32_0 = arith.constant 0 : i32
    return %arg0, %c0_i32 : i32, i32
  }
  func.func @transform_1(%arg0: i32) -> (i32, i32) {
    %c0_i32 = arith.constant 0 : i32
    %c0_i32_0 = arith.constant 0 : i32
    %c0_i32_1 = arith.constant 0 : i32
    return %c0_i32, %c0_i32_0 : i32, i32
  }
  func.func @transform_2(%arg0: i32) -> (i32, i32) {
    %c0_i32 = arith.constant 0 : i32
    %c0_i32_0 = arith.constant 0 : i32
    return %arg0, %c0_i32 : i32, i32
  }
}

module attributes {stable_mosaic.version = 14 : i64} {
  func.func @_conv_body(%arg0: i32, %arg1: memref<4096x48xf32, #tpu.memory_space<vmem>>, %arg2: memref<4096x3xf32, #tpu.memory_space<vmem>>, %arg3: memref<8x16xf32, #tpu.memory_space<vmem>>, %arg4: memref<512x32xf32, #tpu.memory_space<vmem>>, %arg5: memref<256x32xf32, #tpu.memory_space<vmem>>) attributes {dimension_semantics = [#tpu.dimension_semantics<arbitrary>], iteration_bounds = array<i64: 40>, scalar_prefetch = 0 : i64, scratch_operands = 0 : i64, tpu.core_type = #tpu.core_type<tc>, window_params = [{transform_indices = @transform_0, window_bounds = array<i64: 4096, 48>}, {transform_indices = @transform_1, window_bounds = array<i64: 4096, 3>}, {pipeline_mode = #tpu.pipeline_mode<synchronous>, transform_indices = @transform_2, window_bounds = array<i64: 8, 16>}, {pipeline_mode = #tpu.pipeline_mode<synchronous>, transform_indices = @transform_3, window_bounds = array<i64: 512, 32>}, {transform_indices = @transform_4, window_bounds = array<i64: 256, 32>}]} {
    %get3A = arith.constant 0 : index
    %get3A_0 = arith.constant 0 : index
    %get3A_1 = vector.load %arg1[%get3A, %get3A_0] : memref<4096x48xf32, #tpu.memory_space<vmem>>, vector<4096x32xf32>
    %get3A_2 = arith.constant 0 : index
    %get3A_3 = arith.constant 32 : index
    %get3A_4 = vector.load %arg1[%get3A_2, %get3A_3] : memref<4096x48xf32, #tpu.memory_space<vmem>>, vector<4096x1xf32>
    %get3A_5 = arith.constant 0 : index
    %get3A_6 = arith.constant 0 : index
    %get3A_7 = vector.load %arg2[%get3A_5, %get3A_6] : memref<4096x3xf32, #tpu.memory_space<vmem>>, vector<4096x1xf32>
    %sub3A = arith.subf %get3A_4, %get3A_7 : vector<4096x1xf32>
    %get3A_8 = arith.constant 0 : index
    %get3A_9 = arith.constant 33 : index
    %get3A_10 = vector.load %arg1[%get3A_8, %get3A_9] : memref<4096x48xf32, #tpu.memory_space<vmem>>, vector<4096x1xf32>
    %get3A_11 = arith.constant 0 : index
    %get3A_12 = arith.constant 1 : index
    %get3A_13 = vector.load %arg2[%get3A_11, %get3A_12] : memref<4096x3xf32, #tpu.memory_space<vmem>>, vector<4096x1xf32>
    %sub3A_14 = arith.subf %get3A_10, %get3A_13 : vector<4096x1xf32>
    %get3A_15 = arith.constant 0 : index
    %get3A_16 = arith.constant 34 : index
    %get3A_17 = vector.load %arg1[%get3A_15, %get3A_16] : memref<4096x48xf32, #tpu.memory_space<vmem>>, vector<4096x1xf32>
    %get3A_18 = arith.constant 0 : index
    %get3A_19 = arith.constant 2 : index
    %get3A_20 = vector.load %arg2[%get3A_18, %get3A_19] : memref<4096x3xf32, #tpu.memory_space<vmem>>, vector<4096x1xf32>
    %sub3A_21 = arith.subf %get3A_17, %get3A_20 : vector<4096x1xf32>
    %mul3A = arith.mulf %sub3A, %sub3A : vector<4096x1xf32>
    %mul3A_22 = arith.mulf %sub3A_14, %sub3A_14 : vector<4096x1xf32>
    %add3A = arith.addf %mul3A, %mul3A_22 : vector<4096x1xf32>
    %mul3A_23 = arith.mulf %sub3A_21, %sub3A_21 : vector<4096x1xf32>
    %add3A_24 = arith.addf %add3A, %mul3A_23 : vector<4096x1xf32>
    %le3A = arith.constant 1.000000e+00 : f32
    %le3A_25 = vector.broadcast %le3A : f32 to vector<4096x1xf32>
    %le3A_26 = arith.cmpf ole, %add3A_24, %le3A_25 : vector<4096x1xf32>
    %convert_element_type3A = arith.extui %le3A_26 : vector<4096x1xi1> to vector<4096x1xi32>
    %convert_element_type3A_27 = arith.sitofp %convert_element_type3A : vector<4096x1xi32> to vector<4096x1xf32>
    %get3A_28 = arith.constant 0 : index
    %get3A_29 = arith.constant 0 : index
    %get3A_30 = vector.load %arg3[%get3A_28, %get3A_29] : memref<8x16xf32, #tpu.memory_space<vmem>>, vector<1x16xf32>
    %sub3A_31 = vector.broadcast %sub3A : vector<4096x1xf32> to vector<4096x16xf32>
    %sub3A_32 = vector.broadcast %get3A_30 : vector<1x16xf32> to vector<4096x16xf32>
    %sub3A_33 = arith.subf %sub3A_31, %sub3A_32 : vector<4096x16xf32>
    %get3A_34 = arith.constant 1 : index
    %get3A_35 = arith.constant 0 : index
    %get3A_36 = vector.load %arg3[%get3A_34, %get3A_35] : memref<8x16xf32, #tpu.memory_space<vmem>>, vector<1x16xf32>
    %sub3A_37 = vector.broadcast %sub3A_14 : vector<4096x1xf32> to vector<4096x16xf32>
    %sub3A_38 = vector.broadcast %get3A_36 : vector<1x16xf32> to vector<4096x16xf32>
    %sub3A_39 = arith.subf %sub3A_37, %sub3A_38 : vector<4096x16xf32>
    %get3A_40 = arith.constant 2 : index
    %get3A_41 = arith.constant 0 : index
    %get3A_42 = vector.load %arg3[%get3A_40, %get3A_41] : memref<8x16xf32, #tpu.memory_space<vmem>>, vector<1x16xf32>
    %sub3A_43 = vector.broadcast %sub3A_21 : vector<4096x1xf32> to vector<4096x16xf32>
    %sub3A_44 = vector.broadcast %get3A_42 : vector<1x16xf32> to vector<4096x16xf32>
    %sub3A_45 = arith.subf %sub3A_43, %sub3A_44 : vector<4096x16xf32>
    %mul3A_46 = arith.mulf %sub3A_33, %sub3A_33 : vector<4096x16xf32>
    %mul3A_47 = arith.mulf %sub3A_39, %sub3A_39 : vector<4096x16xf32>
    %add3A_48 = arith.addf %mul3A_46, %mul3A_47 : vector<4096x16xf32>
    %mul3A_49 = arith.mulf %sub3A_45, %sub3A_45 : vector<4096x16xf32>
    %add3A_50 = arith.addf %add3A_48, %mul3A_49 : vector<4096x16xf32>
    %sqrt3A = math.sqrt %add3A_50 : vector<4096x16xf32>
    %max3A = arith.constant 9.99999996E-13 : f32
    %max3A_51 = vector.broadcast %max3A : f32 to vector<4096x16xf32>
    %max3A_52 = arith.maximumf %sqrt3A, %max3A_51 : vector<4096x16xf32>
    %div3A = arith.divf %sub3A_33, %max3A_52 : vector<4096x16xf32>
    %div3A_53 = arith.divf %sub3A_39, %max3A_52 : vector<4096x16xf32>
    %add3A_54 = arith.addf %div3A, %div3A_53 : vector<4096x16xf32>
    %div3A_55 = arith.divf %sub3A_45, %max3A_52 : vector<4096x16xf32>
    %add3A_56 = arith.addf %add3A_54, %div3A_55 : vector<4096x16xf32>
    %max3A_57 = arith.constant 0.000000e+00 : f32
    %max3A_58 = vector.broadcast %max3A_57 : f32 to vector<4096x16xf32>
    %max3A_59 = arith.maximumf %add3A_56, %max3A_58 : vector<4096x16xf32>
    %sqrt3A_60 = math.sqrt %max3A_59 : vector<4096x16xf32>
    %div3A_61 = arith.constant 2.000000e-01 : f32
    %div3A_62 = vector.broadcast %div3A_61 : f32 to vector<4096x16xf32>
    %div3A_63 = arith.divf %sqrt3A_60, %div3A_62 : vector<4096x16xf32>
    %sub3A_64 = arith.constant 1.000000e+00 : f32
    %sub3A_65 = vector.broadcast %sub3A_64 : f32 to vector<4096x16xf32>
    %sub3A_66 = arith.subf %sub3A_65, %div3A_63 : vector<4096x16xf32>
    %lt3A = arith.constant 0.000000e+00 : f32
    %lt3A_67 = vector.broadcast %lt3A : f32 to vector<4096x16xf32>
    %lt3A_68 = arith.cmpf olt, %sub3A_66, %lt3A_67 : vector<4096x16xf32>
    %jit3A = arith.constant 0.000000e+00 : f32
    %broadcast_in_dim3A = vector.broadcast %jit3A : f32 to vector<4096x16xf32>
    %select_n3A = arith.select %lt3A_68, %broadcast_in_dim3A, %sub3A_66 : vector<4096x16xi1>, vector<4096x16xf32>
    %reduce_min3A = arith.constant dense<0x7F800000> : vector<4096xf32>
    %reduce_min3A_69 = vector.multi_reduction <minimumf>, %add3A_56, %reduce_min3A [1] : vector<4096x16xf32> to vector<4096xf32>
    %broadcast_in_dim3A_70 = vector.shape_cast %reduce_min3A_69 : vector<4096xf32> to vector<4096x1xf32>
    %iota3A = tpu.iota {dimensions = array<i32: 1>} : vector<1x16xi32>
    %eq3A = vector.broadcast %broadcast_in_dim3A_70 : vector<4096x1xf32> to vector<4096x16xf32>
    %eq3A_71 = arith.cmpf oeq, %add3A_56, %eq3A : vector<4096x16xf32>
    %jit3A_72 = arith.constant 16 : i32
    %broadcast_in_dim3A_73 = vector.shape_cast %iota3A : vector<1x16xi32> to vector<1x16xi32>
    %broadcast_in_dim3A_74 = vector.broadcast %broadcast_in_dim3A_73 : vector<1x16xi32> to vector<4096x16xi32>
    %broadcast_in_dim3A_75 = vector.broadcast %jit3A_72 : i32 to vector<4096x16xi32>
    %select_n3A_76 = arith.select %eq3A_71, %broadcast_in_dim3A_74, %broadcast_in_dim3A_75 : vector<4096x16xi1>, vector<4096x16xi32>
    %reduce_min3A_77 = arith.constant dense<2147483647> : vector<4096xi32>
    %reduce_min3A_78 = vector.multi_reduction <minsi>, %select_n3A_76, %reduce_min3A_77 [1] : vector<4096x16xi32> to vector<4096xi32>
    %broadcast_in_dim3A_79 = vector.shape_cast %reduce_min3A_78 : vector<4096xi32> to vector<4096x1xi32>
    %eq3A_80 = vector.broadcast %iota3A : vector<1x16xi32> to vector<4096x16xi32>
    %eq3A_81 = vector.broadcast %broadcast_in_dim3A_79 : vector<4096x1xi32> to vector<4096x16xi32>
    %eq3A_82 = arith.cmpi eq, %eq3A_80, %eq3A_81 : vector<4096x16xi32>
    %jit3A_83 = arith.constant 0.000000e+00 : f32
    %broadcast_in_dim3A_84 = vector.broadcast %jit3A_83 : f32 to vector<4096x16xf32>
    %select_n3A_85 = arith.select %eq3A_82, %select_n3A, %broadcast_in_dim3A_84 : vector<4096x16xi1>, vector<4096x16xf32>
    %reduce_sum3A = arith.constant dense<0.000000e+00> : vector<4096xf32>
    %reduce_sum3A_86 = vector.multi_reduction <add>, %select_n3A_85, %reduce_sum3A [1] : vector<4096x16xf32> to vector<4096xf32>
    %broadcast_in_dim3A_87 = vector.shape_cast %reduce_sum3A_86 : vector<4096xf32> to vector<4096x1xf32>
    %mul3A_88 = arith.mulf %broadcast_in_dim3A_87, %convert_element_type3A_27 : vector<4096x1xf32>
    %mul3A_89 = vector.broadcast %mul3A_88 : vector<4096x1xf32> to vector<4096x32xf32>
    %mul3A_90 = arith.mulf %get3A_1, %mul3A_89 : vector<4096x32xf32>
    %concatenate3A = tpu.concatenate %mul3A_90, %mul3A_90, %mul3A_90, %mul3A_90, %mul3A_90, %mul3A_90, %mul3A_90, %mul3A_90, %mul3A_90, %mul3A_90, %mul3A_90, %mul3A_90, %mul3A_90, %mul3A_90, %mul3A_90, %mul3A_90 in 1 : vector<4096x32xf32>, vector<4096x32xf32>, vector<4096x32xf32>, vector<4096x32xf32>, vector<4096x32xf32>, vector<4096x32xf32>, vector<4096x32xf32>, vector<4096x32xf32>, vector<4096x32xf32>, vector<4096x32xf32>, vector<4096x32xf32>, vector<4096x32xf32>, vector<4096x32xf32>, vector<4096x32xf32>, vector<4096x32xf32>, vector<4096x32xf32> -> vector<4096x512xf32>
    %iota3A_91 = tpu.iota {dimensions = array<i32: 1>} : vector<1x512xi32>
    %jit3A_92 = arith.constant 32 : i32
    %div3A_93 = vector.broadcast %jit3A_92 : i32 to vector<1x512xi32>
    %div3A_94 = arith.divsi %iota3A_91, %div3A_93 : vector<1x512xi32>
    %sign3A = arith.constant 0 : i32
    %sign3A_95 = vector.broadcast %sign3A : i32 to vector<1x512xi32>
    %sign3A_96 = arith.cmpi sgt, %iota3A_91, %sign3A_95 : vector<1x512xi32>
    %sign3A_97 = arith.extui %sign3A_96 : vector<1x512xi1> to vector<1x512xi32>
    %sign3A_98 = arith.constant 0 : i32
    %sign3A_99 = vector.broadcast %sign3A_98 : i32 to vector<1x512xi32>
    %sign3A_100 = arith.cmpi slt, %iota3A_91, %sign3A_99 : vector<1x512xi32>
    %sign3A_101 = arith.extui %sign3A_100 : vector<1x512xi1> to vector<1x512xi32>
    %sign3A_102 = arith.subi %sign3A_97, %sign3A_101 : vector<1x512xi32>
    %sign3A_103 = arith.constant 0 : i32
    %sign3A_104 = arith.cmpi sgt, %jit3A_92, %sign3A_103 : i32
    %sign3A_105 = arith.extui %sign3A_104 : i1 to i32
    %sign3A_106 = arith.constant 0 : i32
    %sign3A_107 = arith.cmpi slt, %jit3A_92, %sign3A_106 : i32
    %sign3A_108 = arith.extui %sign3A_107 : i1 to i32
    %sign3A_109 = arith.subi %sign3A_105, %sign3A_108 : i32
    %ne3A = vector.broadcast %sign3A_109 : i32 to vector<1x512xi32>
    %ne3A_110 = arith.cmpi ne, %sign3A_102, %ne3A : vector<1x512xi32>
    %rem3A = vector.broadcast %jit3A_92 : i32 to vector<1x512xi32>
    %rem3A_111 = arith.remsi %iota3A_91, %rem3A : vector<1x512xi32>
    %ne3A_112 = arith.constant 0 : i32
    %ne3A_113 = vector.broadcast %ne3A_112 : i32 to vector<1x512xi32>
    %ne3A_114 = arith.cmpi ne, %rem3A_111, %ne3A_113 : vector<1x512xi32>
    %and3A = arith.andi %ne3A_110, %ne3A_114 : vector<1x512xi1>
    %sub3A_115 = arith.constant 1 : i32
    %sub3A_116 = vector.broadcast %sub3A_115 : i32 to vector<1x512xi32>
    %sub3A_117 = arith.subi %div3A_94, %sub3A_116 : vector<1x512xi32>
    %select_n3A_118 = arith.select %and3A, %sub3A_117, %div3A_94 : vector<1x512xi1>, vector<1x512xi32>
    %eq3A_119 = vector.broadcast %select_n3A_118 : vector<1x512xi32> to vector<4096x512xi32>
    %eq3A_120 = vector.broadcast %broadcast_in_dim3A_79 : vector<4096x1xi32> to vector<4096x512xi32>
    %eq3A_121 = arith.cmpi eq, %eq3A_119, %eq3A_120 : vector<4096x512xi32>
    %jit3A_122 = arith.constant 0.000000e+00 : f32
    %broadcast_in_dim3A_123 = vector.broadcast %jit3A_122 : f32 to vector<4096x512xf32>
    %select_n3A_124 = arith.select %eq3A_121, %concatenate3A, %broadcast_in_dim3A_123 : vector<4096x512xi1>, vector<4096x512xf32>
    %reshape3A = vector.shape_cast %select_n3A_124 : vector<4096x512xf32> to vector<256x16x512xf32>
    %reduce_sum3A_125 = arith.constant dense<0.000000e+00> : vector<256x512xf32>
    %reduce_sum3A_126 = vector.multi_reduction <add>, %reshape3A, %reduce_sum3A_125 [1] : vector<256x16x512xf32> to vector<256x512xf32>
    %get3A_127 = arith.constant 0 : index
    %get3A_128 = arith.constant 0 : index
    %get3A_129 = vector.load %arg4[%get3A_127, %get3A_128] : memref<512x32xf32, #tpu.memory_space<vmem>>, vector<512x32xf32>
    %dot_general3A = arith.constant dense<0.000000e+00> : vector<256x32xf32>
    %dot_general3A_130 = tpu.matmul %reduce_sum3A_126, %get3A_129, %dot_general3A {dimension_numbers = #tpu.dot_dimension_numbers<[1], [0], [0], [1], [0, 0, 1, 1], [], []>, transpose_lhs_hint = false} : vector<256x512xf32>, vector<512x32xf32>, vector<256x32xf32> -> vector<256x32xf32>
    %reshape3A_131 = vector.shape_cast %convert_element_type3A_27 : vector<4096x1xf32> to vector<256x16x1xf32>
    %reduce_sum3A_132 = arith.constant dense<0.000000e+00> : vector<256x1xf32>
    %reduce_sum3A_133 = vector.multi_reduction <add>, %reshape3A_131, %reduce_sum3A_132 [1] : vector<256x16x1xf32> to vector<256x1xf32>
    %max3A_134 = arith.constant 1.000000e+00 : f32
    %max3A_135 = vector.broadcast %max3A_134 : f32 to vector<256x1xf32>
    %max3A_136 = arith.maximumf %reduce_sum3A_133, %max3A_135 : vector<256x1xf32>
    %div3A_137 = vector.broadcast %max3A_136 : vector<256x1xf32> to vector<256x32xf32>
    %div3A_138 = arith.divf %dot_general3A_130, %div3A_137 : vector<256x32xf32>
    %swap3A = arith.constant 0 : index
    %swap3A_139 = arith.constant 0 : index
    %swap3A_140 = vector.load %arg5[%swap3A, %swap3A_139] : memref<256x32xf32, #tpu.memory_space<vmem>>, vector<256x32xf32>
    tpu.vector_store %arg5[%swap3A, %swap3A_139], %div3A_138 {strides = array<i32>} : memref<256x32xf32, #tpu.memory_space<vmem>>, vector<256x32xf32>,
    return
  }
  func.func @transform_0(%arg0: i32) -> (i32, i32) {
    %c0_i32 = arith.constant 0 : i32
    %c0_i32_0 = arith.constant 0 : i32
    return %arg0, %c0_i32 : i32, i32
  }
  func.func @transform_1(%arg0: i32) -> (i32, i32) {
    %c0_i32 = arith.constant 0 : i32
    %c0_i32_0 = arith.constant 0 : i32
    return %arg0, %c0_i32 : i32, i32
  }
  func.func @transform_2(%arg0: i32) -> (i32, i32) {
    %c0_i32 = arith.constant 0 : i32
    %c0_i32_0 = arith.constant 0 : i32
    %c0_i32_1 = arith.constant 0 : i32
    return %c0_i32, %c0_i32_0 : i32, i32
  }
  func.func @transform_3(%arg0: i32) -> (i32, i32) {
    %c0_i32 = arith.constant 0 : i32
    %c0_i32_0 = arith.constant 0 : i32
    %c0_i32_1 = arith.constant 0 : i32
    return %c0_i32, %c0_i32_0 : i32, i32
  }
  func.func @transform_4(%arg0: i32) -> (i32, i32) {
    %c0_i32 = arith.constant 0 : i32
    %c0_i32_0 = arith.constant 0 : i32
    return %arg0, %c0_i32 : i32, i32
  }
}

</mosaic_0001>

<sc_bundles>
// kernel: kernel.5.cloned.1.call-start
scs
__scs_entry_jumppad:
0x0: {  	(pc) =	sbr.rel $0x88, $3  }
0x1: {  	(tag) =	ssettag $0x0;
	lr =	simm.s32 $0x1  }
0x2: {  	[smem:$0x3F9D] =	sst lr;
	_ =	strace $0xD0000000  }
0x3: {  	_ = 	snop  }
0x4: {  	_ = 	snop  }
0x5: {  	_ = 	snop  }
0x6: {  	_ = 	snop  }
0x7: {  	_ = 	snop  }
__scs_overlays_trampoline_lowered:
0x8: {  	[smem:$0x3FAC] =	sst s0  }
0x9: {  	[smem:$0x3FAD] =	sst s1  }
0xa: {  	[smem:$0x3FAE] =	sst s2  }
0xb: {  	[smem:$0x3FAF] =	sst s3  }
0xc: {  	[smem:$0x3FB0] =	sst s4  }
0xd: {  	[smem:$0x3FB1] =	sst s5  }
0xe: {  	[smem:$0x3FB2] =	sst s6  }
0xf: {  	[smem:$0x3FB3] =	sst s7  }
0x10: {  	[smem:$0x3FB4] =	sst s8  }
0x11: {  	[smem:$0x3FB5] =	sst s9;
	s0 =	simm.s32 @!p0 $0x0  }
0x12: {  	s1 =	sld [smem:$0x3F9B];
	s0 =	simm.s32 @p0 $0x1  }
0x13: {  	[smem:$0x3FB6] =	sst s0;
	s0 =	simm.s32 @!p1 $0x0  }
0x14: {  	s2 =	sld [smem:$0x3F9A];
	s0 =	simm.s32 @p1 $0x1  }
0x15: {  	[smem:$0x3FB7] =	sst s0;
	s0 =	simm.s32 @!p2 $0x0  }
0x16: {  	s3 =	sld [smem:$0x3FDB];
	s0 =	simm.s32 @p2 $0x1  }
0x17: {  	s4 =	simm.s32 $0x1BF5;
	[smem:$0x3FB9] =	sst s0  }
0x18: {  	s0 =	sld [smem:$0x3F9C];
	_ =	swait.ge [sflag:s4], $0x0  }
0x19: {  	s7 =	sld [smem:$0x3F9D]  }
0x1a: {  	s8 =	sadd.s32 $0xFFFFE003, lr  }
0x1b: {  	s9 =	sadd.s32 $0xFFFFFEF7, lr;
	s5 =	simm.s32 $0xFFFFFFFF;
	p2 =	slt.u32 s8, $0xFFFFF086  }
0x1c: {  	p1 =	slt.u32 s9, $0xF7A;
	s5 =	simm.s32 @!p2 $0x0  }
0x1d: {  	s5 =	simm.s32 @p1 $0x1;
	p0 =	seq.s32 s7, s2  }
0x1e: {  	s7 =	smul.u32 @!p0 $0xF7A, s2;
	p2 =	seq.s32 @!p0 s5, $0x0  }
0x1f: {  	s9 =	smul.u32 $0xF7A, s1;
	s8 =	simm.s32 @!p0 $0x1BF5;
	p2 =	por !p2, p0  }
0x20: {  	[sflag:s8] =	ssyncset.s32 @!p0 $0xFFFFF086;
	s6 =	sadd.s32 @!p0 s3, s7;
	s7 =	simm.s32 @!p0 $0x108  }
0x21: {  	s3 =	sadd.s32 s3, s9;
	s6 =	sadd.s32 @!p0 $0x88, s6;
	s7 =	simm.s32 @p2 $0x1082  }
0x22: {  	[simem:s7], [sflag:s8] =	dma.local @!p0 [hbm:s6], $0xF7A  }
0x23: {  	s9 =	sor.u32 $0xD0000000, s2;
	s6 =	simm.s32 $0x108;
	_ =	swait.ge @!p0 [sflag:s8], $0x0  }
0x24: {  	s3 =	sadd.s32 $0x88, s3;
	s6 =	simm.s32 @!p1 $0x1082;
	[sflag:s4] =	ssyncset.s32 $0xFFFFF086  }
0x25: {  	[simem:s6], [sflag:s4] =	dma.local [hbm:s3], $0xF7A  }
0x26: {  	[smem:$0x3F9D] =	sst s1;
	(tag) =	ssettag s2;
	_ =	strace s9  }
0x27: {  	s1 =	sld [smem:$0x3FAD]  }
0x28: {  	s2 =	sld [smem:$0x3FAE]  }
0x29: {  	s4 =	sld [smem:$0x3FB0]  }
0x2a: {  	p0 =	seq.s32 s5, $0x0;
	s5 =	sld [smem:$0x3FB1]  }
0x2b: {  	s6 =	sld [smem:$0x3FB2]  }
0x2c: {  	s7 =	sld [smem:$0x3FB3]  }
0x2d: {  	s3 =	simm.s32 $0x108;
	s8 =	sld [smem:$0x3FB4]  }
0x2e: {  	s3 =	simm.s32 @!p0 $0x1082;
	s9 =	sld [smem:$0x3FB5]  }
0x2f: {  	lr =	sadd.s32 s0, s3;
	s0 =	sld [smem:$0x3FAC]  }
0x30: {  	s3 =	sld [smem:$0x3FAF]  }
0x31: {  	[smem:$0x3FB8] =	sst s10  }
0x32: {  	s10 =	sld [smem:$0x3FB6];
	_ =	sdelay $0x3  }
0x33: {  	p0 =	seq.s32 s10, $0x1;
	s10 =	sld [smem:$0x3FB8];
	_ =	sdelay $0x3  }
0x34: {  	[smem:$0x3FB8] =	sst s10  }
0x35: {  	s10 =	sld [smem:$0x3FB7];
	_ =	sdelay $0x3  }
0x36: {  	p1 =	seq.s32 s10, $0x1;
	s10 =	sld [smem:$0x3FB8];
	_ =	sdelay $0x3  }
0x37: {  	[smem:$0x3FB8] =	sst s10  }
0x38: {  	s10 =	sld [smem:$0x3FB9]  }
0x39: {  	_ = 	snop;
	(pc) =	sbr.ind lr, $3  }
0x3a: {  	_ = 	snop  }
0x3b: {  	_ = 	snop  }
0x3c: {  	p2 =	seq.s32 s10, $0x1;
	s10 =	sld [smem:$0x3FB8]  }
0x3d: {  	_ =	shalt  }
0x3e: {  	_ =	shalt  }
0x3f: {  	_ =	shalt  }
0x40: {  	_ =	shalt  }
0x41: {  	_ =	shalt  }
0x42: {  	_ =	shalt  }
0x43: {  	_ =	shalt  }
0x44: {  	_ =	shalt  }
0x45: {  	_ =	shalt  }
0x46: {  	_ =	shalt  }
0x47: {  	_ =	shalt  }
0x48: {  	_ =	shalt  }
0x49: {  	_ =	shalt  }
0x4a: {  	_ =	shalt  }
0x4b: {  	_ =	shalt  }
0x4c: {  	_ =	shalt  }
0x4d: {  	_ =	shalt  }
0x4e: {  	_ =	shalt  }
0x4f: {  	_ =	shalt  }
0x50: {  	_ =	shalt  }
0x51: {  	_ =	shalt  }
0x52: {  	_ =	shalt  }
0x53: {  	_ =	shalt  }
0x54: {  	_ =	shalt  }
0x55: {  	_ =	shalt  }
0x56: {  	_ =	shalt  }
0x57: {  	_ =	shalt  }
0x58: {  	_ =	shalt  }
0x59: {  	_ =	shalt  }
0x5a: {  	_ =	shalt  }
0x5b: {  	_ =	shalt  }
0x5c: {  	_ =	shalt  }
0x5d: {  	_ =	shalt  }
0x5e: {  	_ =	shalt  }
0x5f: {  	_ =	shalt  }
0x60: {  	_ =	shalt  }
0x61: {  	_ =	shalt  }
0x62: {  	_ =	shalt  }
0x63: {  	_ =	shalt  }
0x64: {  	_ =	shalt  }
0x65: {  	_ =	shalt  }
0x66: {  	_ =	shalt  }
0x67: {  	_ =	shalt  }
0x68: {  	_ =	shalt  }
0x69: {  	_ =	shalt  }
0x6a: {  	_ =	shalt  }
0x6b: {  	_ =	shalt  }
0x6c: {  	_ =	shalt  }
0x6d: {  	_ =	shalt  }
0x6e: {  	_ =	shalt  }
0x6f: {  	_ =	shalt  }
0x70: {  	_ =	shalt  }
0x71: {  	_ =	shalt  }
0x72: {  	_ =	shalt  }
0x73: {  	_ =	shalt  }
0x74: {  	_ =	shalt  }
0x75: {  	_ =	shalt  }
0x76: {  	_ =	shalt  }
0x77: {  	_ =	shalt  }
0x78: {  	_ =	shalt  }
0x79: {  	_ =	shalt  }
0x7a: {  	_ =	shalt  }
0x7b: {  	_ =	shalt  }
0x7c: {  	_ =	shalt  }
0x7d: {  	_ =	shalt  }
0x7e: {  	_ =	shalt  }
0x7f: {  	_ =	shalt  }
0x80: {  	_ =	shalt  }
0x81: {  	_ =	shalt  }
0x82: {  	_ =	shalt  }
0x83: {  	_ =	shalt  }
0x84: {  	_ =	shalt  }
0x85: {  	_ =	shalt  }
0x86: {  	_ =	shalt  }
0x87: {  	_ =	shalt  }
.Lfunc_end0:
.L_simem_size_0:
called_computation_lowered:
.L_overlay_start_0:
0x88: {  	s2 =	sld [smem:$0x3FD9]  }
0x89: {  	s3 =	sld [smem:$0x3FFE];
	_ =	sdelay $0x1  }
0x8a: {  	s1 =	srdreg.scid  }
0x8b: {  	s0 =	sand.u32 $0x1, s1  }
0x8c: {  	s17 =	sshll.u32 s0, $0xA;
	s2 =	sadd.s32 s3, s2  }
0x8d: {  	s2 =	sadd.s32 s2, s17  }
0x8e: {  	[smem:$0x3FC4] =	sst s2  }
0x8f: {  	_ = 	snop  }
0x90: {  	s2 =	sld [smem:$0x3FD0];
	(tm) =	ssettm $0x1  }
0x91: {  	s18 =	sld [smem:$0x3FFB];
	_ =	sdelay $0x3  }
0x92: {  	_ =	strace s18  }
0x93: {  	s3 =	sld [smem:$0x3FFC];
	_ =	sdelay $0x3  }
0x94: {  	_ =	strace s3  }
0x95: {  	s3 =	sld [smem:$0x3FFD];
	_ =	sdelay $0x3  }
0x96: {  	_ =	strace s3  }
0x97: {  	_ =	strace $0x8FFFFFFF  }
0x98: {  	s19 =	sld [smem:$0x3FDB];
	_ =	sdelay $0x1  }
0x99: {  	s4 =	simm.s32 $_scs_section_size  }
0x9a: {  	s5 =	simm.s32 $_size__tile_overlayer_lowered;
	s6 =	simm.s32 $_tile_overlayer_lowered  }
0x9b: {  	s22 =	simm.s32 $0x1BFF;
	s21 =	sshll.u32 s6, $0x1;
	s3 =	sadd.s32 s4, s19  }
0x9c: {  	s7 =	simm.s32 $0x0;
	s20 =	sshll.u32 s5, $0x1;
	s5 =	sadd.s32 s21, s3  }
0x9d: {  	[timem:s7], [sflag:s22] =	dma.local [hbm:s5], s20  }
0x9e: {  	_ =	swait.ge [sflag:s22], s20  }
0x9f: {  	s4 =	ssub.s32 $0x0, s20;
	[sflag:s22] =	ssyncset.done $0x0  }
0xa0: {  	[sflag:s22] =	ssyncadd.s32 s4;
	_ =	sdelay $0x1  }
0xa1: {  	s23 =	simm.s32 $0x1B8B  }
0xa2: {  	_ =	swait.ge [sflag:s23], $0x1  }
0xa3: {  	[sflag:s23] =	ssyncset.done $0x0  }
0xa4: {  	s25 =	simm.s32 $0x1B8E;
	s24 =	sld [smem:$0x3FFE];
	[sflag:s23] =	ssyncadd.s32 $0xFFFFFFFF  }
0xa5: {  	s26 =	simm.s32 $execute0_lowered;
	[smem:$0x3FD2] =	sst s25  }
0xa6: {  	s5 =	sshll.u32 s26, $0x1;
	_ =	strace $0x80000046;
	[dreg:$0x1] =	wrdreg $0xFFFFFFFF  }
0xa7: {  	s28 =	simm.s32 $_size_execute0_lowered;
	s3 =	sadd.s32 s3, s5;
	[dreg:$0x0] =	wrdreg $0x0  }
0xa8: {  	s5 =	sshll.u32 s28, $0x1;
	[dreg:$0x2] =	wrdreg s3  }
0xa9: {  	[dreg:$0x3] =	wrdreg s5  }
0xaa: {  	[dreg:$0x4] =	wrdreg $0xC0  }
0xab: {  	_ =	task [dreg:s7], $0x5FFFF  }
0xac: {  	[dreg:$0x1] =	wrdreg $0xFFFFFFFF  }
0xad: {  	[dreg:$0x0] =	wrdreg $0x60  }
0xae: {  	[dreg:$0x2] =	wrdreg s24  }
0xaf: {  	[dreg:$0x3] =	wrdreg s2  }
0xb0: {  	[dreg:$0x4] =	wrdreg $0x9  }
0xb1: {  	_ =	task.clear_ibuf [dreg:s7], $0x5FFFF;
	_ =	strace $0x90000046  }
0xb2: {  	s29 =	simm.s32 $0x9;
	_ =	strace $0x80000048  }
0xb3: {  	_ =	swait.ge [sflag:s29], $0x1  }
0xb4: {  	[sflag:s29] =	ssyncadd.s32 $0xFFFFFFFF  }
0xb5: {  	_ =	strace $0x90000048  }
0xb6: {  	_ =	sfence  }
0xb7: {  	s30 =	sld [smem:$0x0];
	_ =	sdelay $0x2  }
0xb8: {  	s31 =	sshll.u32 s1, $0xD;
	s1 =	sshrl.u32 s1, $0x2  }
0xb9: {  	s3 =	sand.u32 $0x4000, s31;
	s1 =	sadd.s32 s1, s30  }
0xba: {  	s0 =	sor.u32 s3, s0;
	s1 =	sshll.u32 s1, $0x11  }
0xbb: {  	s0 =	sor.u32 s1, s0  }
0xbc: {  	s0 =	sadd.s32 $0x8F2B, s0  }
0xbd: {  	[sflag:s0] =	ssyncadd.remote.s32 $0x1  }
0xbe: {  	_ =	sfence.sel $0xFFFF  }
0xbf: {  	[dreg:$0x0] =	wrdreg $0xFFFFFFFF;
	(pc) =	sbr.abs _section_cstart, $3  }
0xc0: {  	[dreg:$0x1] =	wrdreg $0xFFFFFFFF  }
0xc1: {  	_ =	task.clear_ibuf [dreg:s7], $0x2FFFF;
	_ =	strace $0x9FFFFFFF  }
0xc2: {  	(tm) =	ssettm $0x7FFFFFFF  }
0xc3: {  	_ =	shalt  }
tec
execute0_lowered:
.L_overlay_start_1:
0x0: {  	(tag) =	ssettag $0x1  }
0x1: {  	s3 =	rddreg [dreg:$0x0]  }
0x2: {  	s6 =	rddreg [dreg:$0x1]  }
0x3: {  	s0 =	rddreg [dreg:$0x2];
	s1 =	stileid.u32  }
0x4: {  	s2 =	simm.s32 $0x0;
	s5 =	srdreg.scid;
	s4 =	smul.u32 $0xF000, s1  }
0x5: {  	[smem:$0x7FF] =	sst s2;
	s5 =	sand.u32 $0x1, s5;
	s7 =	smul.u32 $0x2800, s1  }
0x6: {  	_ =	strace $0x80000047;
	s8 =	ssub.s32 $0x2, s5;
	s9 =	smul.u32 $0x1400, s5  }
0x7: {  	s5 =	smul.u32 $0x7800, s5;
	s10 =	sadd.s32 s4, s3;
	s31 =	sshrl.u32 s8, $0x1  }
0x8: {  	s3 =	sadd.s32 $0x200, s3;
	s4 =	ssub.s32 s8, s31;
	s7 =	sadd.s32 s9, s7  }
0x9: {  	s5 =	sadd.s32 s5, s10;
	s8 =	simm.s32 $0x280;
	s9 =	simm.s32 $0x1  }
0xa: {  	s10 =	simm.s32 $0x0;
	s4 =	smax.u32 s4, $0x1;
	s7 =	sshrl.u32 s7, $0x3  }
0xb: {  	s5 =	sadd.s32 $0xEE00, s5;
	s6 =	sadd.s32 s7, s6;
	s7 =	simm.s32 $0x2  }
.LBB2_1:
0xc: {  	s11 =	sadd.s32 $0x0, s6  }
0xd: {  	[tilespmem:s2], [sflag:$0x2] =	stream.linear.gather [hbm4b:s11+s2], $0x280, $0x38;
	[tilespmem:$0x7A80] =	vst v63  }
0xe: {  	_ =	swait.ge [sflag:s7], $0x280  }
0xf: {  	[sflag:s7] =	ssyncset.done $0x0  }
0x10: {  	[sflag:s7] =	ssyncadd.s32 $0xFFFFFD80  }
0x11: {  	[tilespmem:s8], [sflag:$0x1] =	stream.indirect.gather [hbm4b:s3+s8], $0x30, s2, s8, $0xb8;
	[tilespmem:$0x7A80] =	vst v63  }
0x12: {  	_ =	swait.ge [sflag:s9], $0x7800  }
0x13: {  	[sflag:s9] =	ssyncset.done $0x0  }
0x14: {  	[sflag:s9] =	ssyncadd.s32 $0xFFFF8800  }
0x15: {  	[hbm4b:s5+s2] =	stream.linear.scatter [tilespmem:s8], [sflag:$0x2], $0x7800, $0x38;
	[tilespmem:$0x7A80] =	vst v63  }
0x16: {  	s12 =	simm.s32 $0x50;
	_ =	swait.ge [sflag:s7], $0x7800  }
0x17: {  	s13 =	simm.s32 $0xA0;
	s11 =	sadd.s32 $0xF00, s5;
	[sflag:s7] =	ssyncset.done $0x0  }
.LBB2_2:
0x18: {  	s14 =	sadd.s32 s12, s6  }
0x19: {  	[sflag:s7] =	ssyncadd.s32 $0xFFFF8800;
	s12 =	smov.u32 s13;
	s15 =	sadd.s32 $0x50, s13  }
0x1a: {  	[tilespmem:s2], [sflag:$0x2] =	stream.linear.gather [hbm4b:s14+s2], $0x280, $0x38;
	[tilespmem:$0x7A80] =	vst v63  }
0x1b: {  	p0 =	sne.s32 s13, $0x230;
	_ =	swait.ge [sflag:s7], $0x280  }
0x1c: {  	[sflag:s7] =	ssyncset.done $0x0  }
0x1d: {  	[sflag:s7] =	ssyncadd.s32 $0xFFFFFD80  }
0x1e: {  	[tilespmem:s8], [sflag:$0x1] =	stream.indirect.gather [hbm4b:s3+s8], $0x30, s2, s8, $0xb8;
	[tilespmem:$0x7A80] =	vst v63  }
0x1f: {  	_ =	swait.ge [sflag:s9], $0x7800  }
.Ltmp0:
0x20: {  	[sflag:s9] =	ssyncset.done $0x0;
	(pc) =	sbr.rel @p0 .LBB2_2-.Ltmp0, $4  }
0x21: {  	[sflag:s9] =	ssyncadd.s32 $0xFFFF8800  }
0x22: {  	[hbm4b:s11+s2] =	stream.linear.scatter [tilespmem:s8], [sflag:$0x2], $0x7800, $0x38;
	[tilespmem:$0x7A80] =	vst v63  }
0x23: {  	_ =	swait.ge [sflag:s7], $0x7800  }
0x24: {  	s13 =	smov.u32 s15;
	s11 =	sadd.s32 $0xF00, s11;
	[sflag:s7] =	ssyncset.done $0x0  }
0x25: {  	s12 =	sadd.s32 s12, s6;
	[sflag:s7] =	ssyncadd.s32 $0xFFFF8800  }
0x26: {  	[tilespmem:s2], [sflag:$0x2] =	stream.linear.gather [hbm4b:s12+s2], $0x280, $0x38;
	[tilespmem:$0x7A80] =	vst v63  }
0x27: {  	_ =	swait.ge [sflag:s7], $0x280  }
0x28: {  	[sflag:s7] =	ssyncset.done $0x0  }
0x29: {  	[sflag:s7] =	ssyncadd.s32 $0xFFFFFD80  }
0x2a: {  	[tilespmem:s8], [sflag:$0x1] =	stream.indirect.gather [hbm4b:s3+s8], $0x30, s2, s8, $0xb8;
	[tilespmem:$0x7A80] =	vst v63  }
0x2b: {  	s10 =	sadd.s32 $0x1, s10;
	_ =	swait.ge [sflag:s9], $0x7800  }
0x2c: {  	p0 =	sne.s32 s10, s4;
	[sflag:s9] =	ssyncset.done $0x0  }
.Ltmp1:
0x2d: {  	[sflag:s9] =	ssyncadd.s32 $0xFFFF8800;
	(pc) =	sbr.rel @p0 .LBB2_1-.Ltmp1, $4  }
0x2e: {  	[hbm4b:s11+s2] =	stream.linear.scatter [tilespmem:s8], [sflag:$0x2], $0x7800, $0x38;
	[tilespmem:$0x7A80] =	vst v63  }
0x2f: {  	_ =	swait.ge [sflag:s7], $0x7800  }
0x30: {  	[sflag:s7] =	ssyncset.done $0x0  }
0x31: {  	[sflag:s7] =	ssyncadd.s32 $0xFFFF8800  }
0x32: {  	_ =	sfence.sel $0x180000  }
0x33: {  	[bflag:$0x0] =	sbarrier.arrive $0xFFFF  }
0x34: {  	p0 =	sne.s32 s1, $0x0;
	_ =	strace $0x90000047  }
0x35: {  	s0 =	sadd.s32 @!p0 $0x100000, s0;
	[bflag:$0x2] =	sbarrier.arrive $0xFFFF  }
0x36: {  	[sflag:s0] =	ssyncadd.tile.s32 @!p0 $0x1;
	_ =	shalt  }
.Lfunc_end2:
_tile_overlayer_lowered:
.L_overlay_start_2:
0x37: {  	(tag) =	ssettag $0x2  }
0x38: {  	s0 =	rddreg [dreg:$0x0];
	s2 =	stileid.u32  }
0x39: {  	s1 =	rddreg [dreg:$0x1];
	p0 =	sne.s32 s2, $0x0  }
0x3a: {  	s3 =	rddreg [dreg:$0x2];
	[bflag:$0x3] =	sbarrier.arrive $0xFFFF;
	s2 =	simm.s32 @!p0 $0x1C02  }
0x3b: {  	[timem:s3], [sflag:s2] =	dma.local @!p0 [hbm:s0], s1  }
0x3c: {  	s0 =	simm.s32 @!p0 $0x2  }
0x3d: {  	_ =	swait.ge @!p0 [sflag:s0], s1  }
0x3e: {  	s1 =	ssub.s32 @!p0 $0x0, s1;
	[sflag:s0] =	ssyncset.done @!p0 $0x0  }
0x3f: {  	[sflag:s0] =	ssyncadd.s32 @!p0 s1  }
0x40: {  	[bflag:$0x3] =	sbarrier.arrive $0xFFFF  }
0x41: {  	_ =	shalt  }

</sc_bundles>
